<compile_context>
chip_gen: v7x
topology: tpu7x:2x2x1
jax: 0.10.2.dev20260603
libtpu: 0.0.44.dev20260713+nightly
codegen_flags: <defaults>
</compile_context>

<pallas_src>
import functools

import jax
import jax.numpy as jnp
from jax import lax
from jax.experimental import pallas as pl
from jax.experimental.pallas import tpu as pltpu
from jax.experimental.pallas import tpu_sc as plsc

_BATCH = 4096
_SEQ = 50
_DIM = 128
_NC, _NS = 2, 16
_NW = _NC * _NS
_CPW = _BATCH // _NW
_NB = 5

_mesh = plsc.VectorSubcoreMesh(core_axis_name="c", subcore_axis_name="s")


@functools.partial(
    pl.kernel,
    out_type=jax.ShapeDtypeStruct((_SEQ, _BATCH, _DIM), jnp.float32),
    mesh=_mesh,
    scratch_types=[
        pltpu.VMEM((_SEQ, _CPW), jnp.int32),
        pltpu.VMEM((_NB, _CPW, _DIM), jnp.float32),
        [pltpu.SemaphoreType.DMA] * _NB,
        [pltpu.SemaphoreType.DMA] * _NB,
    ],
)
def _embed_gather(idx_hbm, table_hbm, out_hbm, idx_v, bufs, gsems, wsems):
    wid = lax.axis_index("s") * _NC + lax.axis_index("c")
    c0 = wid * _CPW
    pltpu.sync_copy(idx_hbm.at[:, pl.ds(c0, _CPW)], idx_v)

    def fire_gather(t, b):
        pltpu.async_copy(table_hbm.at[idx_v.at[t]], bufs.at[b], gsems[b])

    def wait_gather(b):
        pltpu.make_async_copy(
            table_hbm.at[pl.ds(0, _CPW)], bufs.at[b], gsems[b]
        ).wait()

    def fire_write(t, b):
        pltpu.async_copy(
            bufs.at[b], out_hbm.at[t, pl.ds(c0, _CPW)], wsems[b]
        )

    def wait_write(b):
        pltpu.make_async_copy(
            bufs.at[b], out_hbm.at[0, pl.ds(c0, _CPW)], wsems[b]
        ).wait()

    for b in range(_NB):
        fire_gather(b, b)

    @pl.loop(0, _SEQ - _NB, step=_NB)
    def _round(t0):
        for b in range(_NB):
            wait_gather(b)
            fire_write(t0 + b, b)
        for b in range(_NB):
            wait_write(b)
            fire_gather(t0 + _NB + b, b)

    for b in range(_NB):
        wait_gather(b)
        fire_write(_SEQ - _NB + b, b)
    for b in range(_NB):
        wait_write(b)


def kernel(token_ids, weight):
    idx = token_ids.astype(jnp.int32)
    out = _embed_gather(idx.T, weight)
    return jnp.transpose(out, (1, 0, 2))

# --- scband reference (transcript-rebuilt; emitter-appended) ---
"""Pipeline reference for scband-embedding-module-32641751450024 (READ-ONLY COPY).

The authoritative reference and input builder live on the scoring server;
editing this copy changes nothing except your own understanding.
"""

import jax, jax.numpy as jnp
import numpy as np

NUM_EMBEDDINGS = 100000
EMBEDDING_DIM = 128

def setup_inputs(seed: int = 0) -> dict:
    key = jax.random.key(seed)
    k1, k2 = jax.random.split(key)
    token_ids = jax.random.randint(k1, (4096, 50), 0, NUM_EMBEDDINGS, dtype=jnp.int64 if jax.config.jax_enable_x64 else jnp.int32)
    # trunc_normal(mean=0, std=1, a=-3, b=3)
    weight = jax.random.truncated_normal(k2, -3.0, 3.0, (NUM_EMBEDDINGS, EMBEDDING_DIM), dtype=jnp.float32)
    return {"token_ids": token_ids, "weight": weight}

def reference(token_ids, weight):
    return jnp.take(weight, token_ids, axis=0)

if __name__ == "__main__":
    import jax
    _d = setup_inputs()
    print(jax.jit(kernel)(*tuple(_d.values())))

</pallas_src>

<mosaic_0001>
#map = affine_map<(d0, d1) -> (0, 0)>
#map1 = affine_map<(d0, d1) -> (0, 0, 0)>
module attributes {stable_mosaic.version = 14 : i64} {
  func.func @_embed_gather(%arg0: i32, %arg1: i32, %arg2: memref<50x4096xi32, #tpu.memory_space<hbm>>, %arg3: memref<100000x128xf32, #tpu.memory_space<hbm>>, %arg4: memref<50x4096x128xf32, #tpu.memory_space<hbm>>, %arg5: memref<50x128xi32, #tpu.memory_space<vmem>>, %arg6: memref<5x128x128xf32, #tpu.memory_space<vmem>>, %arg7: memref<!tpu.dma_semaphore, #tpu.memory_space<semaphore_mem>>, %arg8: memref<!tpu.dma_semaphore, #tpu.memory_space<semaphore_mem>>, %arg9: memref<!tpu.dma_semaphore, #tpu.memory_space<semaphore_mem>>, %arg10: memref<!tpu.dma_semaphore, #tpu.memory_space<semaphore_mem>>, %arg11: memref<!tpu.dma_semaphore, #tpu.memory_space<semaphore_mem>>, %arg12: memref<!tpu.dma_semaphore, #tpu.memory_space<semaphore_mem>>, %arg13: memref<!tpu.dma_semaphore, #tpu.memory_space<semaphore_mem>>, %arg14: memref<!tpu.dma_semaphore, #tpu.memory_space<semaphore_mem>>, %arg15: memref<!tpu.dma_semaphore, #tpu.memory_space<semaphore_mem>>, %arg16: memref<!tpu.dma_semaphore, #tpu.memory_space<semaphore_mem>>) attributes {dimension_semantics = [#tpu.dimension_semantics<core_parallel>, #tpu.dimension_semantics<subcore_parallel>], iteration_bounds = array<i64: 2, 16>, scalar_prefetch = 0 : i64, scratch_operands = 12 : i64, tpu.core_type = #tpu.core_type<sc_vector_subcore>, window_params = [{transform_indices = #map}, {transform_indices = #map}, {transform_indices = #map1}]} {
    %mul3A = arith.constant 2 : i32
    %mul3A_0 = arith.muli %arg1, %mul3A : i32
    %add3A = arith.addi %mul3A_0, %arg0 : i32
    %mul3A_1 = arith.constant 128 : i32
    %mul3A_2 = arith.muli %add3A, %mul3A_1 : i32
    "tpu.region"() ({
      %run_scoped3A = tpu.sem_alloc : memref<!tpu.dma_semaphore, #tpu.memory_space<semaphore_mem>>
      %dma_start3A_300 = arith.constant 0 : i32
      %dma_start3A_301 = tpu.memref_slice %arg2[%dma_start3A_300, %mul3A_2] : memref<50x4096xi32, #tpu.memory_space<hbm>> -> memref<50x128xi32, #tpu.memory_space<hbm>>
      %dma_start3A_302 = arith.constant 0 : i32
      %dma_start3A_303 = tpu.memref_slice %arg2[%dma_start3A_302, %mul3A_2] : memref<50x4096xi32, #tpu.memory_space<hbm>> -> memref<50x128xi32, #tpu.memory_space<hbm>>
      tpu.enqueue_dma source(%dma_start3A_303 : memref<50x128xi32, #tpu.memory_space<hbm>>) target(%arg5 : memref<50x128xi32, #tpu.memory_space<vmem>>) target_semaphore(%run_scoped3A : memref<!tpu.dma_semaphore, #tpu.memory_space<semaphore_mem>>)
      %dma_wait3A_304 = arith.constant 0 : i32
      %dma_wait3A_305 = tpu.memref_slice %arg2[%dma_wait3A_304, %mul3A_2] : memref<50x4096xi32, #tpu.memory_space<hbm>> -> memref<50x128xi32, #tpu.memory_space<hbm>>
      %dma_wait3A_306 = arith.constant 0 : i32
      %dma_wait3A_307 = tpu.memref_slice %arg2[%dma_wait3A_306, %mul3A_2] : memref<50x4096xi32, #tpu.memory_space<hbm>> -> memref<50x128xi32, #tpu.memory_space<hbm>>
      tpu.wait_dma2 semaphore(%run_scoped3A : memref<!tpu.dma_semaphore, #tpu.memory_space<semaphore_mem>>) src(%dma_wait3A_307 : memref<50x128xi32, #tpu.memory_space<hbm>>) dst(%arg5 : memref<50x128xi32, #tpu.memory_space<vmem>>)
      tpu.yield
    }) : () -> ()
    %dma_start3A = arith.constant 0 : i32
    %dma_start3A_3 = arith.constant 0 : i32
    %dma_start3A_4 = arith.constant 0 : i32
    %dma_start3A_5 = arith.constant 0 : i32
    %dma_start3A_6 = tpu.memref_slice %arg6[%dma_start3A_3, %dma_start3A_4, %dma_start3A_5] : memref<5x128x128xf32, #tpu.memory_space<vmem>> -> memref<1x128x128xf32, #tpu.memory_space<vmem>>
    %dma_start3A_7 = tpu.memref_squeeze %dma_start3A_6 : memref<1x128x128xf32, #tpu.memory_space<vmem>> -> memref<128x128xf32, #tpu.memory_space<vmem>>
    %dma_start3A_8 = arith.constant 0 : i32
    %dma_start3A_9 = tpu.memref_slice %arg5[%dma_start3A, %dma_start3A_8] : memref<50x128xi32, #tpu.memory_space<vmem>> -> memref<1x128xi32, #tpu.memory_space<vmem>>
    %dma_start3A_10 = tpu.memref_squeeze %dma_start3A_9 : memref<1x128xi32, #tpu.memory_space<vmem>> -> memref<128xi32, #tpu.memory_space<vmem>>
    %dma_start3A_11 = arith.constant 0 : i32
    %dma_start3A_12 = arith.constant 0 : i32
    %dma_start3A_13 = tpu.memref_slice %arg3[%dma_start3A_11, %dma_start3A_12] : memref<100000x128xf32, #tpu.memory_space<hbm>> -> memref<100000x128xf32, #tpu.memory_space<hbm>>
    tpu.enqueue_indirect_dma source(%dma_start3A_13 : memref<100000x128xf32, #tpu.memory_space<hbm>>) target(%dma_start3A_7 : memref<128x128xf32, #tpu.memory_space<vmem>>) offsets(%dma_start3A_10 : memref<128xi32, #tpu.memory_space<vmem>>) semaphore(%arg7 : memref<!tpu.dma_semaphore, #tpu.memory_space<semaphore_mem>>)
    %dma_start3A_14 = arith.constant 1 : i32
    %dma_start3A_15 = arith.constant 1 : i32
    %dma_start3A_16 = arith.constant 0 : i32
    %dma_start3A_17 = arith.constant 0 : i32
    %dma_start3A_18 = tpu.memref_slice %arg6[%dma_start3A_15, %dma_start3A_16, %dma_start3A_17] : memref<5x128x128xf32, #tpu.memory_space<vmem>> -> memref<1x128x128xf32, #tpu.memory_space<vmem>>
    %dma_start3A_19 = tpu.memref_squeeze %dma_start3A_18 : memref<1x128x128xf32, #tpu.memory_space<vmem>> -> memref<128x128xf32, #tpu.memory_space<vmem>>
    %dma_start3A_20 = arith.constant 0 : i32
    %dma_start3A_21 = tpu.memref_slice %arg5[%dma_start3A_14, %dma_start3A_20] : memref<50x128xi32, #tpu.memory_space<vmem>> -> memref<1x128xi32, #tpu.memory_space<vmem>>
    %dma_start3A_22 = tpu.memref_squeeze %dma_start3A_21 : memref<1x128xi32, #tpu.memory_space<vmem>> -> memref<128xi32, #tpu.memory_space<vmem>>
    %dma_start3A_23 = arith.constant 0 : i32
    %dma_start3A_24 = arith.constant 0 : i32
    %dma_start3A_25 = tpu.memref_slice %arg3[%dma_start3A_23, %dma_start3A_24] : memref<100000x128xf32, #tpu.memory_space<hbm>> -> memref<100000x128xf32, #tpu.memory_space<hbm>>
    tpu.enqueue_indirect_dma source(%dma_start3A_25 : memref<100000x128xf32, #tpu.memory_space<hbm>>) target(%dma_start3A_19 : memref<128x128xf32, #tpu.memory_space<vmem>>) offsets(%dma_start3A_22 : memref<128xi32, #tpu.memory_space<vmem>>) semaphore(%arg8 : memref<!tpu.dma_semaphore, #tpu.memory_space<semaphore_mem>>)
    %dma_start3A_26 = arith.constant 2 : i32
    %dma_start3A_27 = arith.constant 2 : i32
    %dma_start3A_28 = arith.constant 0 : i32
    %dma_start3A_29 = arith.constant 0 : i32
    %dma_start3A_30 = tpu.memref_slice %arg6[%dma_start3A_27, %dma_start3A_28, %dma_start3A_29] : memref<5x128x128xf32, #tpu.memory_space<vmem>> -> memref<1x128x128xf32, #tpu.memory_space<vmem>>
    %dma_start3A_31 = tpu.memref_squeeze %dma_start3A_30 : memref<1x128x128xf32, #tpu.memory_space<vmem>> -> memref<128x128xf32, #tpu.memory_space<vmem>>
    %dma_start3A_32 = arith.constant 0 : i32
    %dma_start3A_33 = tpu.memref_slice %arg5[%dma_start3A_26, %dma_start3A_32] : memref<50x128xi32, #tpu.memory_space<vmem>> -> memref<1x128xi32, #tpu.memory_space<vmem>>
    %dma_start3A_34 = tpu.memref_squeeze %dma_start3A_33 : memref<1x128xi32, #tpu.memory_space<vmem>> -> memref<128xi32, #tpu.memory_space<vmem>>
    %dma_start3A_35 = arith.constant 0 : i32
    %dma_start3A_36 = arith.constant 0 : i32
    %dma_start3A_37 = tpu.memref_slice %arg3[%dma_start3A_35, %dma_start3A_36] : memref<100000x128xf32, #tpu.memory_space<hbm>> -> memref<100000x128xf32, #tpu.memory_space<hbm>>
    tpu.enqueue_indirect_dma source(%dma_start3A_37 : memref<100000x128xf32, #tpu.memory_space<hbm>>) target(%dma_start3A_31 : memref<128x128xf32, #tpu.memory_space<vmem>>) offsets(%dma_start3A_34 : memref<128xi32, #tpu.memory_space<vmem>>) semaphore(%arg9 : memref<!tpu.dma_semaphore, #tpu.memory_space<semaphore_mem>>)
    %dma_start3A_38 = arith.constant 3 : i32
    %dma_start3A_39 = arith.constant 3 : i32
    %dma_start3A_40 = arith.constant 0 : i32
    %dma_start3A_41 = arith.constant 0 : i32
    %dma_start3A_42 = tpu.memref_slice %arg6[%dma_start3A_39, %dma_start3A_40, %dma_start3A_41] : memref<5x128x128xf32, #tpu.memory_space<vmem>> -> memref<1x128x128xf32, #tpu.memory_space<vmem>>
    %dma_start3A_43 = tpu.memref_squeeze %dma_start3A_42 : memref<1x128x128xf32, #tpu.memory_space<vmem>> -> memref<128x128xf32, #tpu.memory_space<vmem>>
    %dma_start3A_44 = arith.constant 0 : i32
    %dma_start3A_45 = tpu.memref_slice %arg5[%dma_start3A_38, %dma_start3A_44] : memref<50x128xi32, #tpu.memory_space<vmem>> -> memref<1x128xi32, #tpu.memory_space<vmem>>
    %dma_start3A_46 = tpu.memref_squeeze %dma_start3A_45 : memref<1x128xi32, #tpu.memory_space<vmem>> -> memref<128xi32, #tpu.memory_space<vmem>>
    %dma_start3A_47 = arith.constant 0 : i32
    %dma_start3A_48 = arith.constant 0 : i32
    %dma_start3A_49 = tpu.memref_slice %arg3[%dma_start3A_47, %dma_start3A_48] : memref<100000x128xf32, #tpu.memory_space<hbm>> -> memref<100000x128xf32, #tpu.memory_space<hbm>>
    tpu.enqueue_indirect_dma source(%dma_start3A_49 : memref<100000x128xf32, #tpu.memory_space<hbm>>) target(%dma_start3A_43 : memref<128x128xf32, #tpu.memory_space<vmem>>) offsets(%dma_start3A_46 : memref<128xi32, #tpu.memory_space<vmem>>) semaphore(%arg10 : memref<!tpu.dma_semaphore, #tpu.memory_space<semaphore_mem>>)
    %dma_start3A_50 = arith.constant 4 : i32
    %dma_start3A_51 = arith.constant 4 : i32
    %dma_start3A_52 = arith.constant 0 : i32
    %dma_start3A_53 = arith.constant 0 : i32
    %dma_start3A_54 = tpu.memref_slice %arg6[%dma_start3A_51, %dma_start3A_52, %dma_start3A_53] : memref<5x128x128xf32, #tpu.memory_space<vmem>> -> memref<1x128x128xf32, #tpu.memory_space<vmem>>
    %dma_start3A_55 = tpu.memref_squeeze %dma_start3A_54 : memref<1x128x128xf32, #tpu.memory_space<vmem>> -> memref<128x128xf32, #tpu.memory_space<vmem>>
    %dma_start3A_56 = arith.constant 0 : i32
    %dma_start3A_57 = tpu.memref_slice %arg5[%dma_start3A_50, %dma_start3A_56] : memref<50x128xi32, #tpu.memory_space<vmem>> -> memref<1x128xi32, #tpu.memory_space<vmem>>
    %dma_start3A_58 = tpu.memref_squeeze %dma_start3A_57 : memref<1x128xi32, #tpu.memory_space<vmem>> -> memref<128xi32, #tpu.memory_space<vmem>>
    %dma_start3A_59 = arith.constant 0 : i32
    %dma_start3A_60 = arith.constant 0 : i32
    %dma_start3A_61 = tpu.memref_slice %arg3[%dma_start3A_59, %dma_start3A_60] : memref<100000x128xf32, #tpu.memory_space<hbm>> -> memref<100000x128xf32, #tpu.memory_space<hbm>>
    tpu.enqueue_indirect_dma source(%dma_start3A_61 : memref<100000x128xf32, #tpu.memory_space<hbm>>) target(%dma_start3A_55 : memref<128x128xf32, #tpu.memory_space<vmem>>) offsets(%dma_start3A_58 : memref<128xi32, #tpu.memory_space<vmem>>) semaphore(%arg11 : memref<!tpu.dma_semaphore, #tpu.memory_space<semaphore_mem>>)
    %scan3A = arith.constant 0 : i32
    %scan3A_62 = arith.constant 9 : i32
    %scan3A_63 = arith.addi %scan3A, %scan3A_62 : i32
    %scan3A_64 = arith.constant 1 : i32
    scf.for %scan3A_300 = %scan3A to %scan3A_63 step %scan3A_64  : i32 {
      %mul3A_301 = arith.constant 5 : i32
      %mul3A_302 = arith.muli %scan3A_300, %mul3A_301 : i32
      %add3A_303 = arith.constant 0 : i32
      %add3A_304 = arith.addi %add3A_303, %mul3A_302 : i32
      %dma_wait3A_305 = arith.constant 0 : i32
      %dma_wait3A_306 = arith.constant 0 : i32
      %dma_wait3A_307 = arith.constant 0 : i32
      %dma_wait3A_308 = tpu.memref_slice %arg6[%dma_wait3A_305, %dma_wait3A_306, %dma_wait3A_307] : memref<5x128x128xf32, #tpu.memory_space<vmem>> -> memref<1x128x128xf32, #tpu.memory_space<vmem>>
      %dma_wait3A_309 = tpu.memref_squeeze %dma_wait3A_308 : memref<1x128x128xf32, #tpu.memory_space<vmem>> -> memref<128x128xf32, #tpu.memory_space<vmem>>
      %dma_wait3A_310 = arith.constant 0 : i32
      %dma_wait3A_311 = arith.constant 0 : i32
      %dma_wait3A_312 = tpu.memref_slice %arg3[%dma_wait3A_310, %dma_wait3A_311] : memref<100000x128xf32, #tpu.memory_space<hbm>> -> memref<128x128xf32, #tpu.memory_space<hbm>>
      %dma_wait3A_313 = arith.constant 0 : i32
      %dma_wait3A_314 = arith.constant 0 : i32
      %dma_wait3A_315 = tpu.memref_slice %arg6[%dma_wait3A_305, %dma_wait3A_313, %dma_wait3A_314] : memref<5x128x128xf32, #tpu.memory_space<vmem>> -> memref<1x128x128xf32, #tpu.memory_space<vmem>>
      %dma_wait3A_316 = tpu.memref_squeeze %dma_wait3A_315 : memref<1x128x128xf32, #tpu.memory_space<vmem>> -> memref<128x128xf32, #tpu.memory_space<vmem>>
      %dma_wait3A_317 = arith.constant 0 : i32
      %dma_wait3A_318 = arith.constant 0 : i32
      %dma_wait3A_319 = tpu.memref_slice %arg3[%dma_wait3A_317, %dma_wait3A_318] : memref<100000x128xf32, #tpu.memory_space<hbm>> -> memref<128x128xf32, #tpu.memory_space<hbm>>
      tpu.wait_dma2 semaphore(%arg7 : memref<!tpu.dma_semaphore, #tpu.memory_space<semaphore_mem>>) src(%dma_wait3A_319 : memref<128x128xf32, #tpu.memory_space<hbm>>) dst(%dma_wait3A_316 : memref<128x128xf32, #tpu.memory_space<vmem>>)
      %add3A_320 = arith.constant 0 : i32
      %add3A_321 = arith.addi %add3A_304, %add3A_320 : i32
      %dma_start3A_322 = arith.constant 0 : i32
      %dma_start3A_323 = arith.constant 0 : i32
      %dma_start3A_324 = arith.constant 0 : i32
      %dma_start3A_325 = tpu.memref_slice %arg6[%dma_start3A_322, %dma_start3A_323, %dma_start3A_324] : memref<5x128x128xf32, #tpu.memory_space<vmem>> -> memref<1x128x128xf32, #tpu.memory_space<vmem>>
      %dma_start3A_326 = tpu.memref_squeeze %dma_start3A_325 : memref<1x128x128xf32, #tpu.memory_space<vmem>> -> memref<128x128xf32, #tpu.memory_space<vmem>>
      %dma_start3A_327 = arith.constant 0 : i32
      %dma_start3A_328 = tpu.memref_slice %arg4[%add3A_321, %mul3A_2, %dma_start3A_327] : memref<50x4096x128xf32, #tpu.memory_space<hbm>> -> memref<1x128x128xf32, #tpu.memory_space<hbm>>
      %dma_start3A_329 = tpu.memref_squeeze %dma_start3A_328 : memref<1x128x128xf32, #tpu.memory_space<hbm>> -> memref<128x128xf32, #tpu.memory_space<hbm>>
      %dma_start3A_330 = arith.constant 0 : i32
      %dma_start3A_331 = tpu.memref_slice %arg4[%add3A_321, %mul3A_2, %dma_start3A_330] : memref<50x4096x128xf32, #tpu.memory_space<hbm>> -> memref<1x128x128xf32, #tpu.memory_space<hbm>>
      %dma_start3A_332 = tpu.memref_squeeze %dma_start3A_331 : memref<1x128x128xf32, #tpu.memory_space<hbm>> -> memref<128x128xf32, #tpu.memory_space<hbm>>
      %dma_start3A_333 = arith.constant 0 : i32
      %dma_start3A_334 = arith.constant 0 : i32
      %dma_start3A_335 = tpu.memref_slice %arg6[%dma_start3A_322, %dma_start3A_333, %dma_start3A_334] : memref<5x128x128xf32, #tpu.memory_space<vmem>> -> memref<1x128x128xf32, #tpu.memory_space<vmem>>
      %dma_start3A_336 = tpu.memref_squeeze %dma_start3A_335 : memref<1x128x128xf32, #tpu.memory_space<vmem>> -> memref<128x128xf32, #tpu.memory_space<vmem>>
      tpu.enqueue_dma source(%dma_start3A_336 : memref<128x128xf32, #tpu.memory_space<vmem>>) target(%dma_start3A_332 : memref<128x128xf32, #tpu.memory_space<hbm>>) target_semaphore(%arg12 : memref<!tpu.dma_semaphore, #tpu.memory_space<semaphore_mem>>)
      %dma_wait3A_337 = arith.constant 1 : i32
      %dma_wait3A_338 = arith.constant 0 : i32
      %dma_wait3A_339 = arith.constant 0 : i32
      %dma_wait3A_340 = tpu.memref_slice %arg6[%dma_wait3A_337, %dma_wait3A_338, %dma_wait3A_339] : memref<5x128x128xf32, #tpu.memory_space<vmem>> -> memref<1x128x128xf32, #tpu.memory_space<vmem>>
      %dma_wait3A_341 = tpu.memref_squeeze %dma_wait3A_340 : memref<1x128x128xf32, #tpu.memory_space<vmem>> -> memref<128x128xf32, #tpu.memory_space<vmem>>
      %dma_wait3A_342 = arith.constant 0 : i32
      %dma_wait3A_343 = arith.constant 0 : i32
      %dma_wait3A_344 = tpu.memref_slice %arg3[%dma_wait3A_342, %dma_wait3A_343] : memref<100000x128xf32, #tpu.memory_space<hbm>> -> memref<128x128xf32, #tpu.memory_space<hbm>>
      %dma_wait3A_345 = arith.constant 0 : i32
      %dma_wait3A_346 = arith.constant 0 : i32
      %dma_wait3A_347 = tpu.memref_slice %arg6[%dma_wait3A_337, %dma_wait3A_345, %dma_wait3A_346] : memref<5x128x128xf32, #tpu.memory_space<vmem>> -> memref<1x128x128xf32, #tpu.memory_space<vmem>>
      %dma_wait3A_348 = tpu.memref_squeeze %dma_wait3A_347 : memref<1x128x128xf32, #tpu.memory_space<vmem>> -> memref<128x128xf32, #tpu.memory_space<vmem>>
      %dma_wait3A_349 = arith.constant 0 : i32
      %dma_wait3A_350 = arith.constant 0 : i32
      %dma_wait3A_351 = tpu.memref_slice %arg3[%dma_wait3A_349, %dma_wait3A_350] : memref<100000x128xf32, #tpu.memory_space<hbm>> -> memref<128x128xf32, #tpu.memory_space<hbm>>
      tpu.wait_dma2 semaphore(%arg8 : memref<!tpu.dma_semaphore, #tpu.memory_space<semaphore_mem>>) src(%dma_wait3A_351 : memref<128x128xf32, #tpu.memory_space<hbm>>) dst(%dma_wait3A_348 : memref<128x128xf32, #tpu.memory_space<vmem>>)
      %add3A_352 = arith.constant 1 : i32
      %add3A_353 = arith.addi %add3A_304, %add3A_352 : i32
      %dma_start3A_354 = arith.constant 1 : i32
      %dma_start3A_355 = arith.constant 0 : i32
      %dma_start3A_356 = arith.constant 0 : i32
      %dma_start3A_357 = tpu.memref_slice %arg6[%dma_start3A_354, %dma_start3A_355, %dma_start3A_356] : memref<5x128x128xf32, #tpu.memory_space<vmem>> -> memref<1x128x128xf32, #tpu.memory_space<vmem>>
      %dma_start3A_358 = tpu.memref_squeeze %dma_start3A_357 : memref<1x128x128xf32, #tpu.memory_space<vmem>> -> memref<128x128xf32, #tpu.memory_space<vmem>>
      %dma_start3A_359 = arith.constant 0 : i32
      %dma_start3A_360 = tpu.memref_slice %arg4[%add3A_353, %mul3A_2, %dma_start3A_359] : memref<50x4096x128xf32, #tpu.memory_space<hbm>> -> memref<1x128x128xf32, #tpu.memory_space<hbm>>
      %dma_start3A_361 = tpu.memref_squeeze %dma_start3A_360 : memref<1x128x128xf32, #tpu.memory_space<hbm>> -> memref<128x128xf32, #tpu.memory_space<hbm>>
      %dma_start3A_362 = arith.constant 0 : i32
      %dma_start3A_363 = tpu.memref_slice %arg4[%add3A_353, %mul3A_2, %dma_start3A_362] : memref<50x4096x128xf32, #tpu.memory_space<hbm>> -> memref<1x128x128xf32, #tpu.memory_space<hbm>>
      %dma_start3A_364 = tpu.memref_squeeze %dma_start3A_363 : memref<1x128x128xf32, #tpu.memory_space<hbm>> -> memref<128x128xf32, #tpu.memory_space<hbm>>
      %dma_start3A_365 = arith.constant 0 : i32
      %dma_start3A_366 = arith.constant 0 : i32
      %dma_start3A_367 = tpu.memref_slice %arg6[%dma_start3A_354, %dma_start3A_365, %dma_start3A_366] : memref<5x128x128xf32, #tpu.memory_space<vmem>> -> memref<1x128x128xf32, #tpu.memory_space<vmem>>
      %dma_start3A_368 = tpu.memref_squeeze %dma_start3A_367 : memref<1x128x128xf32, #tpu.memory_space<vmem>> -> memref<128x128xf32, #tpu.memory_space<vmem>>
      tpu.enqueue_dma source(%dma_start3A_368 : memref<128x128xf32, #tpu.memory_space<vmem>>) target(%dma_start3A_364 : memref<128x128xf32, #tpu.memory_space<hbm>>) target_semaphore(%arg13 : memref<!tpu.dma_semaphore, #tpu.memory_space<semaphore_mem>>)
      %dma_wait3A_369 = arith.constant 2 : i32
      %dma_wait3A_370 = arith.constant 0 : i32
      %dma_wait3A_371 = arith.constant 0 : i32
      %dma_wait3A_372 = tpu.memref_slice %arg6[%dma_wait3A_369, %dma_wait3A_370, %dma_wait3A_371] : memref<5x128x128xf32, #tpu.memory_space<vmem>> -> memref<1x128x128xf32, #tpu.memory_space<vmem>>
      %dma_wait3A_373 = tpu.memref_squeeze %dma_wait3A_372 : memref<1x128x128xf32, #tpu.memory_space<vmem>> -> memref<128x128xf32, #tpu.memory_space<vmem>>
      %dma_wait3A_374 = arith.constant 0 : i32
      %dma_wait3A_375 = arith.constant 0 : i32
      %dma_wait3A_376 = tpu.memref_slice %arg3[%dma_wait3A_374, %dma_wait3A_375] : memref<100000x128xf32, #tpu.memory_space<hbm>> -> memref<128x128xf32, #tpu.memory_space<hbm>>
      %dma_wait3A_377 = arith.constant 0 : i32
      %dma_wait3A_378 = arith.constant 0 : i32
      %dma_wait3A_379 = tpu.memref_slice %arg6[%dma_wait3A_369, %dma_wait3A_377, %dma_wait3A_378] : memref<5x128x128xf32, #tpu.memory_space<vmem>> -> memref<1x128x128xf32, #tpu.memory_space<vmem>>
      %dma_wait3A_380 = tpu.memref_squeeze %dma_wait3A_379 : memref<1x128x128xf32, #tpu.memory_space<vmem>> -> memref<128x128xf32, #tpu.memory_space<vmem>>
      %dma_wait3A_381 = arith.constant 0 : i32
      %dma_wait3A_382 = arith.constant 0 : i32
      %dma_wait3A_383 = tpu.memref_slice %arg3[%dma_wait3A_381, %dma_wait3A_382] : memref<100000x128xf32, #tpu.memory_space<hbm>> -> memref<128x128xf32, #tpu.memory_space<hbm>>
      tpu.wait_dma2 semaphore(%arg9 : memref<!tpu.dma_semaphore, #tpu.memory_space<semaphore_mem>>) src(%dma_wait3A_383 : memref<128x128xf32, #tpu.memory_space<hbm>>) dst(%dma_wait3A_380 : memref<128x128xf32, #tpu.memory_space<vmem>>)
      %add3A_384 = arith.constant 2 : i32
      %add3A_385 = arith.addi %add3A_304, %add3A_384 : i32
      %dma_start3A_386 = arith.constant 2 : i32
      %dma_start3A_387 = arith.constant 0 : i32
      %dma_start3A_388 = arith.constant 0 : i32
      %dma_start3A_389 = tpu.memref_slice %arg6[%dma_start3A_386, %dma_start3A_387, %dma_start3A_388] : memref<5x128x128xf32, #tpu.memory_space<vmem>> -> memref<1x128x128xf32, #tpu.memory_space<vmem>>
      %dma_start3A_390 = tpu.memref_squeeze %dma_start3A_389 : memref<1x128x128xf32, #tpu.memory_space<vmem>> -> memref<128x128xf32, #tpu.memory_space<vmem>>
      %dma_start3A_391 = arith.constant 0 : i32
      %dma_start3A_392 = tpu.memref_slice %arg4[%add3A_385, %mul3A_2, %dma_start3A_391] : memref<50x4096x128xf32, #tpu.memory_space<hbm>> -> memref<1x128x128xf32, #tpu.memory_space<hbm>>
      %dma_start3A_393 = tpu.memref_squeeze %dma_start3A_392 : memref<1x128x128xf32, #tpu.memory_space<hbm>> -> memref<128x128xf32, #tpu.memory_space<hbm>>
      %dma_start3A_394 = arith.constant 0 : i32
      %dma_start3A_395 = tpu.memref_slice %arg4[%add3A_385, %mul3A_2, %dma_start3A_394] : memref<50x4096x128xf32, #tpu.memory_space<hbm>> -> memref<1x128x128xf32, #tpu.memory_space<hbm>>
      %dma_start3A_396 = tpu.memref_squeeze %dma_start3A_395 : memref<1x128x128xf32, #tpu.memory_space<hbm>> -> memref<128x128xf32, #tpu.memory_space<hbm>>
      %dma_start3A_397 = arith.constant 0 : i32
      %dma_start3A_398 = arith.constant 0 : i32
      %dma_start3A_399 = tpu.memref_slice %arg6[%dma_start3A_386, %dma_start3A_397, %dma_start3A_398] : memref<5x128x128xf32, #tpu.memory_space<vmem>> -> memref<1x128x128xf32, #tpu.memory_space<vmem>>
      %dma_start3A_400 = tpu.memref_squeeze %dma_start3A_399 : memref<1x128x128xf32, #tpu.memory_space<vmem>> -> memref<128x128xf32, #tpu.memory_space<vmem>>
      tpu.enqueue_dma source(%dma_start3A_400 : memref<128x128xf32, #tpu.memory_space<vmem>>) target(%dma_start3A_396 : memref<128x128xf32, #tpu.memory_space<hbm>>) target_semaphore(%arg14 : memref<!tpu.dma_semaphore, #tpu.memory_space<semaphore_mem>>)
      %dma_wait3A_401 = arith.constant 3 : i32
      %dma_wait3A_402 = arith.constant 0 : i32
      %dma_wait3A_403 = arith.constant 0 : i32
      %dma_wait3A_404 = tpu.memref_slice %arg6[%dma_wait3A_401, %dma_wait3A_402, %dma_wait3A_403] : memref<5x128x128xf32, #tpu.memory_space<vmem>> -> memref<1x128x128xf32, #tpu.memory_space<vmem>>
      %dma_wait3A_405 = tpu.memref_squeeze %dma_wait3A_404 : memref<1x128x128xf32, #tpu.memory_space<vmem>> -> memref<128x128xf32, #tpu.memory_space<vmem>>
      %dma_wait3A_406 = arith.constant 0 : i32
      %dma_wait3A_407 = arith.constant 0 : i32
      %dma_wait3A_408 = tpu.memref_slice %arg3[%dma_wait3A_406, %dma_wait3A_407] : memref<100000x128xf32, #tpu.memory_space<hbm>> -> memref<128x128xf32, #tpu.memory_space<hbm>>
      %dma_wait3A_409 = arith.constant 0 : i32
      %dma_wait3A_410 = arith.constant 0 : i32
      %dma_wait3A_411 = tpu.memref_slice %arg6[%dma_wait3A_401, %dma_wait3A_409, %dma_wait3A_410] : memref<5x128x128xf32, #tpu.memory_space<vmem>> -> memref<1x128x128xf32, #tpu.memory_space<vmem>>
      %dma_wait3A_412 = tpu.memref_squeeze %dma_wait3A_411 : memref<1x128x128xf32, #tpu.memory_space<vmem>> -> memref<128x128xf32, #tpu.memory_space<vmem>>
      %dma_wait3A_413 = arith.constant 0 : i32
      %dma_wait3A_414 = arith.constant 0 : i32
      %dma_wait3A_415 = tpu.memref_slice %arg3[%dma_wait3A_413, %dma_wait3A_414] : memref<100000x128xf32, #tpu.memory_space<hbm>> -> memref<128x128xf32, #tpu.memory_space<hbm>>
      tpu.wait_dma2 semaphore(%arg10 : memref<!tpu.dma_semaphore, #tpu.memory_space<semaphore_mem>>) src(%dma_wait3A_415 : memref<128x128xf32, #tpu.memory_space<hbm>>) dst(%dma_wait3A_412 : memref<128x128xf32, #tpu.memory_space<vmem>>)
      %add3A_416 = arith.constant 3 : i32
      %add3A_417 = arith.addi %add3A_304, %add3A_416 : i32
      %dma_start3A_418 = arith.constant 3 : i32
      %dma_start3A_419 = arith.constant 0 : i32
      %dma_start3A_420 = arith.constant 0 : i32
      %dma_start3A_421 = tpu.memref_slice %arg6[%dma_start3A_418, %dma_start3A_419, %dma_start3A_420] : memref<5x128x128xf32, #tpu.memory_space<vmem>> -> memref<1x128x128xf32, #tpu.memory_space<vmem>>
      %dma_start3A_422 = tpu.memref_squeeze %dma_start3A_421 : memref<1x128x128xf32, #tpu.memory_space<vmem>> -> memref<128x128xf32, #tpu.memory_space<vmem>>
      %dma_start3A_423 = arith.constant 0 : i32
      %dma_start3A_424 = tpu.memref_slice %arg4[%add3A_417, %mul3A_2, %dma_start3A_423] : memref<50x4096x128xf32, #tpu.memory_space<hbm>> -> memref<1x128x128xf32, #tpu.memory_space<hbm>>
      %dma_start3A_425 = tpu.memref_squeeze %dma_start3A_424 : memref<1x128x128xf32, #tpu.memory_space<hbm>> -> memref<128x128xf32, #tpu.memory_space<hbm>>
      %dma_start3A_426 = arith.constant 0 : i32
      %dma_start3A_427 = tpu.memref_slice %arg4[%add3A_417, %mul3A_2, %dma_start3A_426] : memref<50x4096x128xf32, #tpu.memory_space<hbm>> -> memref<1x128x128xf32, #tpu.memory_space<hbm>>
      %dma_start3A_428 = tpu.memref_squeeze %dma_start3A_427 : memref<1x128x128xf32, #tpu.memory_space<hbm>> -> memref<128x128xf32, #tpu.memory_space<hbm>>
      %dma_start3A_429 = arith.constant 0 : i32
      %dma_start3A_430 = arith.constant 0 : i32
      %dma_start3A_431 = tpu.memref_slice %arg6[%dma_start3A_418, %dma_start3A_429, %dma_start3A_430] : memref<5x128x128xf32, #tpu.memory_space<vmem>> -> memref<1x128x128xf32, #tpu.memory_space<vmem>>
      %dma_start3A_432 = tpu.memref_squeeze %dma_start3A_431 : memref<1x128x128xf32, #tpu.memory_space<vmem>> -> memref<128x128xf32, #tpu.memory_space<vmem>>
      tpu.enqueue_dma source(%dma_start3A_432 : memref<128x128xf32, #tpu.memory_space<vmem>>) target(%dma_start3A_428 : memref<128x128xf32, #tpu.memory_space<hbm>>) target_semaphore(%arg15 : memref<!tpu.dma_semaphore, #tpu.memory_space<semaphore_mem>>)
      %dma_wait3A_433 = arith.constant 4 : i32
      %dma_wait3A_434 = arith.constant 0 : i32
      %dma_wait3A_435 = arith.constant 0 : i32
      %dma_wait3A_436 = tpu.memref_slice %arg6[%dma_wait3A_433, %dma_wait3A_434, %dma_wait3A_435] : memref<5x128x128xf32, #tpu.memory_space<vmem>> -> memref<1x128x128xf32, #tpu.memory_space<vmem>>
      %dma_wait3A_437 = tpu.memref_squeeze %dma_wait3A_436 : memref<1x128x128xf32, #tpu.memory_space<vmem>> -> memref<128x128xf32, #tpu.memory_space<vmem>>
      %dma_wait3A_438 = arith.constant 0 : i32
      %dma_wait3A_439 = arith.constant 0 : i32
      %dma_wait3A_440 = tpu.memref_slice %arg3[%dma_wait3A_438, %dma_wait3A_439] : memref<100000x128xf32, #tpu.memory_space<hbm>> -> memref<128x128xf32, #tpu.memory_space<hbm>>
      %dma_wait3A_441 = arith.constant 0 : i32
      %dma_wait3A_442 = arith.constant 0 : i32
      %dma_wait3A_443 = tpu.memref_slice %arg6[%dma_wait3A_433, %dma_wait3A_441, %dma_wait3A_442] : memref<5x128x128xf32, #tpu.memory_space<vmem>> -> memref<1x128x128xf32, #tpu.memory_space<vmem>>
      %dma_wait3A_444 = tpu.memref_squeeze %dma_wait3A_443 : memref<1x128x128xf32, #tpu.memory_space<vmem>> -> memref<128x128xf32, #tpu.memory_space<vmem>>
      %dma_wait3A_445 = arith.constant 0 : i32
      %dma_wait3A_446 = arith.constant 0 : i32
      %dma_wait3A_447 = tpu.memref_slice %arg3[%dma_wait3A_445, %dma_wait3A_446] : memref<100000x128xf32, #tpu.memory_space<hbm>> -> memref<128x128xf32, #tpu.memory_space<hbm>>
      tpu.wait_dma2 semaphore(%arg11 : memref<!tpu.dma_semaphore, #tpu.memory_space<semaphore_mem>>) src(%dma_wait3A_447 : memref<128x128xf32, #tpu.memory_space<hbm>>) dst(%dma_wait3A_444 : memref<128x128xf32, #tpu.memory_space<vmem>>)
      %add3A_448 = arith.constant 4 : i32
      %add3A_449 = arith.addi %add3A_304, %add3A_448 : i32
      %dma_start3A_450 = arith.constant 4 : i32
      %dma_start3A_451 = arith.constant 0 : i32
      %dma_start3A_452 = arith.constant 0 : i32
      %dma_start3A_453 = tpu.memref_slice %arg6[%dma_start3A_450, %dma_start3A_451, %dma_start3A_452] : memref<5x128x128xf32, #tpu.memory_space<vmem>> -> memref<1x128x128xf32, #tpu.memory_space<vmem>>
      %dma_start3A_454 = tpu.memref_squeeze %dma_start3A_453 : memref<1x128x128xf32, #tpu.memory_space<vmem>> -> memref<128x128xf32, #tpu.memory_space<vmem>>
      %dma_start3A_455 = arith.constant 0 : i32
      %dma_start3A_456 = tpu.memref_slice %arg4[%add3A_449, %mul3A_2, %dma_start3A_455] : memref<50x4096x128xf32, #tpu.memory_space<hbm>> -> memref<1x128x128xf32, #tpu.memory_space<hbm>>
      %dma_start3A_457 = tpu.memref_squeeze %dma_start3A_456 : memref<1x128x128xf32, #tpu.memory_space<hbm>> -> memref<128x128xf32, #tpu.memory_space<hbm>>
      %dma_start3A_458 = arith.constant 0 : i32
      %dma_start3A_459 = tpu.memref_slice %arg4[%add3A_449, %mul3A_2, %dma_start3A_458] : memref<50x4096x128xf32, #tpu.memory_space<hbm>> -> memref<1x128x128xf32, #tpu.memory_space<hbm>>
      %dma_start3A_460 = tpu.memref_squeeze %dma_start3A_459 : memref<1x128x128xf32, #tpu.memory_space<hbm>> -> memref<128x128xf32, #tpu.memory_space<hbm>>
      %dma_start3A_461 = arith.constant 0 : i32
      %dma_start3A_462 = arith.constant 0 : i32
      %dma_start3A_463 = tpu.memref_slice %arg6[%dma_start3A_450, %dma_start3A_461, %dma_start3A_462] : memref<5x128x128xf32, #tpu.memory_space<vmem>> -> memref<1x128x128xf32, #tpu.memory_space<vmem>>
      %dma_start3A_464 = tpu.memref_squeeze %dma_start3A_463 : memref<1x128x128xf32, #tpu.memory_space<vmem>> -> memref<128x128xf32, #tpu.memory_space<vmem>>
      tpu.enqueue_dma source(%dma_start3A_464 : memref<128x128xf32, #tpu.memory_space<vmem>>) target(%dma_start3A_460 : memref<128x128xf32, #tpu.memory_space<hbm>>) target_semaphore(%arg16 : memref<!tpu.dma_semaphore, #tpu.memory_space<semaphore_mem>>)
      %dma_wait3A_465 = arith.constant 0 : i32
      %dma_wait3A_466 = arith.constant 0 : i32
      %dma_wait3A_467 = arith.constant 0 : i32
      %dma_wait3A_468 = arith.constant 0 : i32
      %dma_wait3A_469 = tpu.memref_slice %arg6[%dma_wait3A_465, %dma_wait3A_467, %dma_wait3A_468] : memref<5x128x128xf32, #tpu.memory_space<vmem>> -> memref<1x128x128xf32, #tpu.memory_space<vmem>>
      %dma_wait3A_470 = tpu.memref_squeeze %dma_wait3A_469 : memref<1x128x128xf32, #tpu.memory_space<vmem>> -> memref<128x128xf32, #tpu.memory_space<vmem>>
      %dma_wait3A_471 = arith.constant 0 : i32
      %dma_wait3A_472 = tpu.memref_slice %arg4[%dma_wait3A_466, %mul3A_2, %dma_wait3A_471] : memref<50x4096x128xf32, #tpu.memory_space<hbm>> -> memref<1x128x128xf32, #tpu.memory_space<hbm>>
      %dma_wait3A_473 = tpu.memref_squeeze %dma_wait3A_472 : memref<1x128x128xf32, #tpu.memory_space<hbm>> -> memref<128x128xf32, #tpu.memory_space<hbm>>
      %dma_wait3A_474 = arith.constant 0 : i32
      %dma_wait3A_475 = tpu.memref_slice %arg4[%dma_wait3A_466, %mul3A_2, %dma_wait3A_474] : memref<50x4096x128xf32, #tpu.memory_space<hbm>> -> memref<1x128x128xf32, #tpu.memory_space<hbm>>
      %dma_wait3A_476 = tpu.memref_squeeze %dma_wait3A_475 : memref<1x128x128xf32, #tpu.memory_space<hbm>> -> memref<128x128xf32, #tpu.memory_space<hbm>>
      %dma_wait3A_477 = arith.constant 0 : i32
      %dma_wait3A_478 = arith.constant 0 : i32
      %dma_wait3A_479 = tpu.memref_slice %arg6[%dma_wait3A_465, %dma_wait3A_477, %dma_wait3A_478] : memref<5x128x128xf32, #tpu.memory_space<vmem>> -> memref<1x128x128xf32, #tpu.memory_space<vmem>>
      %dma_wait3A_480 = tpu.memref_squeeze %dma_wait3A_479 : memref<1x128x128xf32, #tpu.memory_space<vmem>> -> memref<128x128xf32, #tpu.memory_space<vmem>>
      tpu.wait_dma2 semaphore(%arg12 : memref<!tpu.dma_semaphore, #tpu.memory_space<semaphore_mem>>) src(%dma_wait3A_480 : memref<128x128xf32, #tpu.memory_space<vmem>>) dst(%dma_wait3A_476 : memref<128x128xf32, #tpu.memory_space<hbm>>)
      %add3A_481 = arith.constant 5 : i32
      %add3A_482 = arith.addi %add3A_304, %add3A_481 : i32
      %add3A_483 = arith.constant 0 : i32
      %add3A_484 = arith.addi %add3A_482, %add3A_483 : i32
      %dma_start3A_485 = arith.constant 0 : i32
      %dma_start3A_486 = arith.constant 0 : i32
      %dma_start3A_487 = arith.constant 0 : i32
      %dma_start3A_488 = tpu.memref_slice %arg6[%dma_start3A_485, %dma_start3A_486, %dma_start3A_487] : memref<5x128x128xf32, #tpu.memory_space<vmem>> -> memref<1x128x128xf32, #tpu.memory_space<vmem>>
      %dma_start3A_489 = tpu.memref_squeeze %dma_start3A_488 : memref<1x128x128xf32, #tpu.memory_space<vmem>> -> memref<128x128xf32, #tpu.memory_space<vmem>>
      %dma_start3A_490 = arith.constant 0 : i32
      %dma_start3A_491 = tpu.memref_slice %arg5[%add3A_484, %dma_start3A_490] : memref<50x128xi32, #tpu.memory_space<vmem>> -> memref<1x128xi32, #tpu.memory_space<vmem>>
      %dma_start3A_492 = tpu.memref_squeeze %dma_start3A_491 : memref<1x128xi32, #tpu.memory_space<vmem>> -> memref<128xi32, #tpu.memory_space<vmem>>
      %dma_start3A_493 = arith.constant 0 : i32
      %dma_start3A_494 = arith.constant 0 : i32
      %dma_start3A_495 = tpu.memref_slice %arg3[%dma_start3A_493, %dma_start3A_494] : memref<100000x128xf32, #tpu.memory_space<hbm>> -> memref<100000x128xf32, #tpu.memory_space<hbm>>
      tpu.enqueue_indirect_dma source(%dma_start3A_495 : memref<100000x128xf32, #tpu.memory_space<hbm>>) target(%dma_start3A_489 : memref<128x128xf32, #tpu.memory_space<vmem>>) offsets(%dma_start3A_492 : memref<128xi32, #tpu.memory_space<vmem>>) semaphore(%arg7 : memref<!tpu.dma_semaphore, #tpu.memory_space<semaphore_mem>>)
      %dma_wait3A_496 = arith.constant 1 : i32
      %dma_wait3A_497 = arith.constant 0 : i32
      %dma_wait3A_498 = arith.constant 0 : i32
      %dma_wait3A_499 = arith.constant 0 : i32
      %dma_wait3A_500 = tpu.memref_slice %arg6[%dma_wait3A_496, %dma_wait3A_498, %dma_wait3A_499] : memref<5x128x128xf32, #tpu.memory_space<vmem>> -> memref<1x128x128xf32, #tpu.memory_space<vmem>>
      %dma_wait3A_501 = tpu.memref_squeeze %dma_wait3A_500 : memref<1x128x128xf32, #tpu.memory_space<vmem>> -> memref<128x128xf32, #tpu.memory_space<vmem>>
      %dma_wait3A_502 = arith.constant 0 : i32
      %dma_wait3A_503 = tpu.memref_slice %arg4[%dma_wait3A_497, %mul3A_2, %dma_wait3A_502] : memref<50x4096x128xf32, #tpu.memory_space<hbm>> -> memref<1x128x128xf32, #tpu.memory_space<hbm>>
      %dma_wait3A_504 = tpu.memref_squeeze %dma_wait3A_503 : memref<1x128x128xf32, #tpu.memory_space<hbm>> -> memref<128x128xf32, #tpu.memory_space<hbm>>
      %dma_wait3A_505 = arith.constant 0 : i32
      %dma_wait3A_506 = tpu.memref_slice %arg4[%dma_wait3A_497, %mul3A_2, %dma_wait3A_505] : memref<50x4096x128xf32, #tpu.memory_space<hbm>> -> memref<1x128x128xf32, #tpu.memory_space<hbm>>
      %dma_wait3A_507 = tpu.memref_squeeze %dma_wait3A_506 : memref<1x128x128xf32, #tpu.memory_space<hbm>> -> memref<128x128xf32, #tpu.memory_space<hbm>>
      %dma_wait3A_508 = arith.constant 0 : i32
      %dma_wait3A_509 = arith.constant 0 : i32
      %dma_wait3A_510 = tpu.memref_slice %arg6[%dma_wait3A_496, %dma_wait3A_508, %dma_wait3A_509] : memref<5x128x128xf32, #tpu.memory_space<vmem>> -> memref<1x128x128xf32, #tpu.memory_space<vmem>>
      %dma_wait3A_511 = tpu.memref_squeeze %dma_wait3A_510 : memref<1x128x128xf32, #tpu.memory_space<vmem>> -> memref<128x128xf32, #tpu.memory_space<vmem>>
      tpu.wait_dma2 semaphore(%arg13 : memref<!tpu.dma_semaphore, #tpu.memory_space<semaphore_mem>>) src(%dma_wait3A_511 : memref<128x128xf32, #tpu.memory_space<vmem>>) dst(%dma_wait3A_507 : memref<128x128xf32, #tpu.memory_space<hbm>>)
      %add3A_512 = arith.constant 5 : i32
      %add3A_513 = arith.addi %add3A_304, %add3A_512 : i32
      %add3A_514 = arith.constant 1 : i32
      %add3A_515 = arith.addi %add3A_513, %add3A_514 : i32
      %dma_start3A_516 = arith.constant 1 : i32
      %dma_start3A_517 = arith.constant 0 : i32
      %dma_start3A_518 = arith.constant 0 : i32
      %dma_start3A_519 = tpu.memref_slice %arg6[%dma_start3A_516, %dma_start3A_517, %dma_start3A_518] : memref<5x128x128xf32, #tpu.memory_space<vmem>> -> memref<1x128x128xf32, #tpu.memory_space<vmem>>
      %dma_start3A_520 = tpu.memref_squeeze %dma_start3A_519 : memref<1x128x128xf32, #tpu.memory_space<vmem>> -> memref<128x128xf32, #tpu.memory_space<vmem>>
      %dma_start3A_521 = arith.constant 0 : i32
      %dma_start3A_522 = tpu.memref_slice %arg5[%add3A_515, %dma_start3A_521] : memref<50x128xi32, #tpu.memory_space<vmem>> -> memref<1x128xi32, #tpu.memory_space<vmem>>
      %dma_start3A_523 = tpu.memref_squeeze %dma_start3A_522 : memref<1x128xi32, #tpu.memory_space<vmem>> -> memref<128xi32, #tpu.memory_space<vmem>>
      %dma_start3A_524 = arith.constant 0 : i32
      %dma_start3A_525 = arith.constant 0 : i32
      %dma_start3A_526 = tpu.memref_slice %arg3[%dma_start3A_524, %dma_start3A_525] : memref<100000x128xf32, #tpu.memory_space<hbm>> -> memref<100000x128xf32, #tpu.memory_space<hbm>>
      tpu.enqueue_indirect_dma source(%dma_start3A_526 : memref<100000x128xf32, #tpu.memory_space<hbm>>) target(%dma_start3A_520 : memref<128x128xf32, #tpu.memory_space<vmem>>) offsets(%dma_start3A_523 : memref<128xi32, #tpu.memory_space<vmem>>) semaphore(%arg8 : memref<!tpu.dma_semaphore, #tpu.memory_space<semaphore_mem>>)
      %dma_wait3A_527 = arith.constant 2 : i32
      %dma_wait3A_528 = arith.constant 0 : i32
      %dma_wait3A_529 = arith.constant 0 : i32
      %dma_wait3A_530 = arith.constant 0 : i32
      %dma_wait3A_531 = tpu.memref_slice %arg6[%dma_wait3A_527, %dma_wait3A_529, %dma_wait3A_530] : memref<5x128x128xf32, #tpu.memory_space<vmem>> -> memref<1x128x128xf32, #tpu.memory_space<vmem>>
      %dma_wait3A_532 = tpu.memref_squeeze %dma_wait3A_531 : memref<1x128x128xf32, #tpu.memory_space<vmem>> -> memref<128x128xf32, #tpu.memory_space<vmem>>
      %dma_wait3A_533 = arith.constant 0 : i32
      %dma_wait3A_534 = tpu.memref_slice %arg4[%dma_wait3A_528, %mul3A_2, %dma_wait3A_533] : memref<50x4096x128xf32, #tpu.memory_space<hbm>> -> memref<1x128x128xf32, #tpu.memory_space<hbm>>
      %dma_wait3A_535 = tpu.memref_squeeze %dma_wait3A_534 : memref<1x128x128xf32, #tpu.memory_space<hbm>> -> memref<128x128xf32, #tpu.memory_space<hbm>>
      %dma_wait3A_536 = arith.constant 0 : i32
      %dma_wait3A_537 = tpu.memref_slice %arg4[%dma_wait3A_528, %mul3A_2, %dma_wait3A_536] : memref<50x4096x128xf32, #tpu.memory_space<hbm>> -> memref<1x128x128xf32, #tpu.memory_space<hbm>>
      %dma_wait3A_538 = tpu.memref_squeeze %dma_wait3A_537 : memref<1x128x128xf32, #tpu.memory_space<hbm>> -> memref<128x128xf32, #tpu.memory_space<hbm>>
      %dma_wait3A_539 = arith.constant 0 : i32
      %dma_wait3A_540 = arith.constant 0 : i32
      %dma_wait3A_541 = tpu.memref_slice %arg6[%dma_wait3A_527, %dma_wait3A_539, %dma_wait3A_540] : memref<5x128x128xf32, #tpu.memory_space<vmem>> -> memref<1x128x128xf32, #tpu.memory_space<vmem>>
      %dma_wait3A_542 = tpu.memref_squeeze %dma_wait3A_541 : memref<1x128x128xf32, #tpu.memory_space<vmem>> -> memref<128x128xf32, #tpu.memory_space<vmem>>
      tpu.wait_dma2 semaphore(%arg14 : memref<!tpu.dma_semaphore, #tpu.memory_space<semaphore_mem>>) src(%dma_wait3A_542 : memref<128x128xf32, #tpu.memory_space<vmem>>) dst(%dma_wait3A_538 : memref<128x128xf32, #tpu.memory_space<hbm>>)
      %add3A_543 = arith.constant 5 : i32
      %add3A_544 = arith.addi %add3A_304, %add3A_543 : i32
      %add3A_545 = arith.constant 2 : i32
      %add3A_546 = arith.addi %add3A_544, %add3A_545 : i32
      %dma_start3A_547 = arith.constant 2 : i32
      %dma_start3A_548 = arith.constant 0 : i32
      %dma_start3A_549 = arith.constant 0 : i32
      %dma_start3A_550 = tpu.memref_slice %arg6[%dma_start3A_547, %dma_start3A_548, %dma_start3A_549] : memref<5x128x128xf32, #tpu.memory_space<vmem>> -> memref<1x128x128xf32, #tpu.memory_space<vmem>>
      %dma_start3A_551 = tpu.memref_squeeze %dma_start3A_550 : memref<1x128x128xf32, #tpu.memory_space<vmem>> -> memref<128x128xf32, #tpu.memory_space<vmem>>
      %dma_start3A_552 = arith.constant 0 : i32
      %dma_start3A_553 = tpu.memref_slice %arg5[%add3A_546, %dma_start3A_552] : memref<50x128xi32, #tpu.memory_space<vmem>> -> memref<1x128xi32, #tpu.memory_space<vmem>>
      %dma_start3A_554 = tpu.memref_squeeze %dma_start3A_553 : memref<1x128xi32, #tpu.memory_space<vmem>> -> memref<128xi32, #tpu.memory_space<vmem>>
      %dma_start3A_555 = arith.constant 0 : i32
      %dma_start3A_556 = arith.constant 0 : i32
      %dma_start3A_557 = tpu.memref_slice %arg3[%dma_start3A_555, %dma_start3A_556] : memref<100000x128xf32, #tpu.memory_space<hbm>> -> memref<100000x128xf32, #tpu.memory_space<hbm>>
      tpu.enqueue_indirect_dma source(%dma_start3A_557 : memref<100000x128xf32, #tpu.memory_space<hbm>>) target(%dma_start3A_551 : memref<128x128xf32, #tpu.memory_space<vmem>>) offsets(%dma_start3A_554 : memref<128xi32, #tpu.memory_space<vmem>>) semaphore(%arg9 : memref<!tpu.dma_semaphore, #tpu.memory_space<semaphore_mem>>)
      %dma_wait3A_558 = arith.constant 3 : i32
      %dma_wait3A_559 = arith.constant 0 : i32
      %dma_wait3A_560 = arith.constant 0 : i32
      %dma_wait3A_561 = arith.constant 0 : i32
      %dma_wait3A_562 = tpu.memref_slice %arg6[%dma_wait3A_558, %dma_wait3A_560, %dma_wait3A_561] : memref<5x128x128xf32, #tpu.memory_space<vmem>> -> memref<1x128x128xf32, #tpu.memory_space<vmem>>
      %dma_wait3A_563 = tpu.memref_squeeze %dma_wait3A_562 : memref<1x128x128xf32, #tpu.memory_space<vmem>> -> memref<128x128xf32, #tpu.memory_space<vmem>>
      %dma_wait3A_564 = arith.constant 0 : i32
      %dma_wait3A_565 = tpu.memref_slice %arg4[%dma_wait3A_559, %mul3A_2, %dma_wait3A_564] : memref<50x4096x128xf32, #tpu.memory_space<hbm>> -> memref<1x128x128xf32, #tpu.memory_space<hbm>>
      %dma_wait3A_566 = tpu.memref_squeeze %dma_wait3A_565 : memref<1x128x128xf32, #tpu.memory_space<hbm>> -> memref<128x128xf32, #tpu.memory_space<hbm>>
      %dma_wait3A_567 = arith.constant 0 : i32
      %dma_wait3A_568 = tpu.memref_slice %arg4[%dma_wait3A_559, %mul3A_2, %dma_wait3A_567] : memref<50x4096x128xf32, #tpu.memory_space<hbm>> -> memref<1x128x128xf32, #tpu.memory_space<hbm>>
      %dma_wait3A_569 = tpu.memref_squeeze %dma_wait3A_568 : memref<1x128x128xf32, #tpu.memory_space<hbm>> -> memref<128x128xf32, #tpu.memory_space<hbm>>
      %dma_wait3A_570 = arith.constant 0 : i32
      %dma_wait3A_571 = arith.constant 0 : i32
      %dma_wait3A_572 = tpu.memref_slice %arg6[%dma_wait3A_558, %dma_wait3A_570, %dma_wait3A_571] : memref<5x128x128xf32, #tpu.memory_space<vmem>> -> memref<1x128x128xf32, #tpu.memory_space<vmem>>
      %dma_wait3A_573 = tpu.memref_squeeze %dma_wait3A_572 : memref<1x128x128xf32, #tpu.memory_space<vmem>> -> memref<128x128xf32, #tpu.memory_space<vmem>>
      tpu.wait_dma2 semaphore(%arg15 : memref<!tpu.dma_semaphore, #tpu.memory_space<semaphore_mem>>) src(%dma_wait3A_573 : memref<128x128xf32, #tpu.memory_space<vmem>>) dst(%dma_wait3A_569 : memref<128x128xf32, #tpu.memory_space<hbm>>)
      %add3A_574 = arith.constant 5 : i32
      %add3A_575 = arith.addi %add3A_304, %add3A_574 : i32
      %add3A_576 = arith.constant 3 : i32
      %add3A_577 = arith.addi %add3A_575, %add3A_576 : i32
      %dma_start3A_578 = arith.constant 3 : i32
      %dma_start3A_579 = arith.constant 0 : i32
      %dma_start3A_580 = arith.constant 0 : i32
      %dma_start3A_581 = tpu.memref_slice %arg6[%dma_start3A_578, %dma_start3A_579, %dma_start3A_580] : memref<5x128x128xf32, #tpu.memory_space<vmem>> -> memref<1x128x128xf32, #tpu.memory_space<vmem>>
      %dma_start3A_582 = tpu.memref_squeeze %dma_start3A_581 : memref<1x128x128xf32, #tpu.memory_space<vmem>> -> memref<128x128xf32, #tpu.memory_space<vmem>>
      %dma_start3A_583 = arith.constant 0 : i32
      %dma_start3A_584 = tpu.memref_slice %arg5[%add3A_577, %dma_start3A_583] : memref<50x128xi32, #tpu.memory_space<vmem>> -> memref<1x128xi32, #tpu.memory_space<vmem>>
      %dma_start3A_585 = tpu.memref_squeeze %dma_start3A_584 : memref<1x128xi32, #tpu.memory_space<vmem>> -> memref<128xi32, #tpu.memory_space<vmem>>
      %dma_start3A_586 = arith.constant 0 : i32
      %dma_start3A_587 = arith.constant 0 : i32
      %dma_start3A_588 = tpu.memref_slice %arg3[%dma_start3A_586, %dma_start3A_587] : memref<100000x128xf32, #tpu.memory_space<hbm>> -> memref<100000x128xf32, #tpu.memory_space<hbm>>
      tpu.enqueue_indirect_dma source(%dma_start3A_588 : memref<100000x128xf32, #tpu.memory_space<hbm>>) target(%dma_start3A_582 : memref<128x128xf32, #tpu.memory_space<vmem>>) offsets(%dma_start3A_585 : memref<128xi32, #tpu.memory_space<vmem>>) semaphore(%arg10 : memref<!tpu.dma_semaphore, #tpu.memory_space<semaphore_mem>>)
      %dma_wait3A_589 = arith.constant 4 : i32
      %dma_wait3A_590 = arith.constant 0 : i32
      %dma_wait3A_591 = arith.constant 0 : i32
      %dma_wait3A_592 = arith.constant 0 : i32
      %dma_wait3A_593 = tpu.memref_slice %arg6[%dma_wait3A_589, %dma_wait3A_591, %dma_wait3A_592] : memref<5x128x128xf32, #tpu.memory_space<vmem>> -> memref<1x128x128xf32, #tpu.memory_space<vmem>>
      %dma_wait3A_594 = tpu.memref_squeeze %dma_wait3A_593 : memref<1x128x128xf32, #tpu.memory_space<vmem>> -> memref<128x128xf32, #tpu.memory_space<vmem>>
      %dma_wait3A_595 = arith.constant 0 : i32
      %dma_wait3A_596 = tpu.memref_slice %arg4[%dma_wait3A_590, %mul3A_2, %dma_wait3A_595] : memref<50x4096x128xf32, #tpu.memory_space<hbm>> -> memref<1x128x128xf32, #tpu.memory_space<hbm>>
      %dma_wait3A_597 = tpu.memref_squeeze %dma_wait3A_596 : memref<1x128x128xf32, #tpu.memory_space<hbm>> -> memref<128x128xf32, #tpu.memory_space<hbm>>
      %dma_wait3A_598 = arith.constant 0 : i32
      %dma_wait3A_599 = tpu.memref_slice %arg4[%dma_wait3A_590, %mul3A_2, %dma_wait3A_598] : memref<50x4096x128xf32, #tpu.memory_space<hbm>> -> memref<1x128x128xf32, #tpu.memory_space<hbm>>
      %dma_wait3A_600 = tpu.memref_squeeze %dma_wait3A_599 : memref<1x128x128xf32, #tpu.memory_space<hbm>> -> memref<128x128xf32, #tpu.memory_space<hbm>>
      %dma_wait3A_601 = arith.constant 0 : i32
      %dma_wait3A_602 = arith.constant 0 : i32
      %dma_wait3A_603 = tpu.memref_slice %arg6[%dma_wait3A_589, %dma_wait3A_601, %dma_wait3A_602] : memref<5x128x128xf32, #tpu.memory_space<vmem>> -> memref<1x128x128xf32, #tpu.memory_space<vmem>>
      %dma_wait3A_604 = tpu.memref_squeeze %dma_wait3A_603 : memref<1x128x128xf32, #tpu.memory_space<vmem>> -> memref<128x128xf32, #tpu.memory_space<vmem>>
      tpu.wait_dma2 semaphore(%arg16 : memref<!tpu.dma_semaphore, #tpu.memory_space<semaphore_mem>>) src(%dma_wait3A_604 : memref<128x128xf32, #tpu.memory_space<vmem>>) dst(%dma_wait3A_600 : memref<128x128xf32, #tpu.memory_space<hbm>>)
      %add3A_605 = arith.constant 5 : i32
      %add3A_606 = arith.addi %add3A_304, %add3A_605 : i32
      %add3A_607 = arith.constant 4 : i32
      %add3A_608 = arith.addi %add3A_606, %add3A_607 : i32
      %dma_start3A_609 = arith.constant 4 : i32
      %dma_start3A_610 = arith.constant 0 : i32
      %dma_start3A_611 = arith.constant 0 : i32
      %dma_start3A_612 = tpu.memref_slice %arg6[%dma_start3A_609, %dma_start3A_610, %dma_start3A_611] : memref<5x128x128xf32, #tpu.memory_space<vmem>> -> memref<1x128x128xf32, #tpu.memory_space<vmem>>
      %dma_start3A_613 = tpu.memref_squeeze %dma_start3A_612 : memref<1x128x128xf32, #tpu.memory_space<vmem>> -> memref<128x128xf32, #tpu.memory_space<vmem>>
      %dma_start3A_614 = arith.constant 0 : i32
      %dma_start3A_615 = tpu.memref_slice %arg5[%add3A_608, %dma_start3A_614] : memref<50x128xi32, #tpu.memory_space<vmem>> -> memref<1x128xi32, #tpu.memory_space<vmem>>
      %dma_start3A_616 = tpu.memref_squeeze %dma_start3A_615 : memref<1x128xi32, #tpu.memory_space<vmem>> -> memref<128xi32, #tpu.memory_space<vmem>>
      %dma_start3A_617 = arith.constant 0 : i32
      %dma_start3A_618 = arith.constant 0 : i32
      %dma_start3A_619 = tpu.memref_slice %arg3[%dma_start3A_617, %dma_start3A_618] : memref<100000x128xf32, #tpu.memory_space<hbm>> -> memref<100000x128xf32, #tpu.memory_space<hbm>>
      tpu.enqueue_indirect_dma source(%dma_start3A_619 : memref<100000x128xf32, #tpu.memory_space<hbm>>) target(%dma_start3A_613 : memref<128x128xf32, #tpu.memory_space<vmem>>) offsets(%dma_start3A_616 : memref<128xi32, #tpu.memory_space<vmem>>) semaphore(%arg11 : memref<!tpu.dma_semaphore, #tpu.memory_space<semaphore_mem>>)
    }
    %scan3A_65 = arith.constant 9 : i32
    %dma_wait3A = arith.constant 0 : i32
    %dma_wait3A_66 = arith.constant 0 : i32
    %dma_wait3A_67 = arith.constant 0 : i32
    %dma_wait3A_68 = tpu.memref_slice %arg6[%dma_wait3A, %dma_wait3A_66, %dma_wait3A_67] : memref<5x128x128xf32, #tpu.memory_space<vmem>> -> memref<1x128x128xf32, #tpu.memory_space<vmem>>
    %dma_wait3A_69 = tpu.memref_squeeze %dma_wait3A_68 : memref<1x128x128xf32, #tpu.memory_space<vmem>> -> memref<128x128xf32, #tpu.memory_space<vmem>>
    %dma_wait3A_70 = arith.constant 0 : i32
    %dma_wait3A_71 = arith.constant 0 : i32
    %dma_wait3A_72 = tpu.memref_slice %arg3[%dma_wait3A_70, %dma_wait3A_71] : memref<100000x128xf32, #tpu.memory_space<hbm>> -> memref<128x128xf32, #tpu.memory_space<hbm>>
    %dma_wait3A_73 = arith.constant 0 : i32
    %dma_wait3A_74 = arith.constant 0 : i32
    %dma_wait3A_75 = tpu.memref_slice %arg6[%dma_wait3A, %dma_wait3A_73, %dma_wait3A_74] : memref<5x128x128xf32, #tpu.memory_space<vmem>> -> memref<1x128x128xf32, #tpu.memory_space<vmem>>
    %dma_wait3A_76 = tpu.memref_squeeze %dma_wait3A_75 : memref<1x128x128xf32, #tpu.memory_space<vmem>> -> memref<128x128xf32, #tpu.memory_space<vmem>>
    %dma_wait3A_77 = arith.constant 0 : i32
    %dma_wait3A_78 = arith.constant 0 : i32
    %dma_wait3A_79 = tpu.memref_slice %arg3[%dma_wait3A_77, %dma_wait3A_78] : memref<100000x128xf32, #tpu.memory_space<hbm>> -> memref<128x128xf32, #tpu.memory_space<hbm>>
    tpu.wait_dma2 semaphore(%arg7 : memref<!tpu.dma_semaphore, #tpu.memory_space<semaphore_mem>>) src(%dma_wait3A_79 : memref<128x128xf32, #tpu.memory_space<hbm>>) dst(%dma_wait3A_76 : memref<128x128xf32, #tpu.memory_space<vmem>>)
    %dma_start3A_80 = arith.constant 0 : i32
    %dma_start3A_81 = arith.constant 45 : i32
    %dma_start3A_82 = arith.constant 0 : i32
    %dma_start3A_83 = arith.constant 0 : i32
    %dma_start3A_84 = tpu.memref_slice %arg6[%dma_start3A_80, %dma_start3A_82, %dma_start3A_83] : memref<5x128x128xf32, #tpu.memory_space<vmem>> -> memref<1x128x128xf32, #tpu.memory_space<vmem>>
    %dma_start3A_85 = tpu.memref_squeeze %dma_start3A_84 : memref<1x128x128xf32, #tpu.memory_space<vmem>> -> memref<128x128xf32, #tpu.memory_space<vmem>>
    %dma_start3A_86 = arith.constant 0 : i32
    %dma_start3A_87 = tpu.memref_slice %arg4[%dma_start3A_81, %mul3A_2, %dma_start3A_86] : memref<50x4096x128xf32, #tpu.memory_space<hbm>> -> memref<1x128x128xf32, #tpu.memory_space<hbm>>
    %dma_start3A_88 = tpu.memref_squeeze %dma_start3A_87 : memref<1x128x128xf32, #tpu.memory_space<hbm>> -> memref<128x128xf32, #tpu.memory_space<hbm>>
    %dma_start3A_89 = arith.constant 0 : i32
    %dma_start3A_90 = tpu.memref_slice %arg4[%dma_start3A_81, %mul3A_2, %dma_start3A_89] : memref<50x4096x128xf32, #tpu.memory_space<hbm>> -> memref<1x128x128xf32, #tpu.memory_space<hbm>>
    %dma_start3A_91 = tpu.memref_squeeze %dma_start3A_90 : memref<1x128x128xf32, #tpu.memory_space<hbm>> -> memref<128x128xf32, #tpu.memory_space<hbm>>
    %dma_start3A_92 = arith.constant 0 : i32
    %dma_start3A_93 = arith.constant 0 : i32
    %dma_start3A_94 = tpu.memref_slice %arg6[%dma_start3A_80, %dma_start3A_92, %dma_start3A_93] : memref<5x128x128xf32, #tpu.memory_space<vmem>> -> memref<1x128x128xf32, #tpu.memory_space<vmem>>
    %dma_start3A_95 = tpu.memref_squeeze %dma_start3A_94 : memref<1x128x128xf32, #tpu.memory_space<vmem>> -> memref<128x128xf32, #tpu.memory_space<vmem>>
    tpu.enqueue_dma source(%dma_start3A_95 : memref<128x128xf32, #tpu.memory_space<vmem>>) target(%dma_start3A_91 : memref<128x128xf32, #tpu.memory_space<hbm>>) target_semaphore(%arg12 : memref<!tpu.dma_semaphore, #tpu.memory_space<semaphore_mem>>)
    %dma_wait3A_96 = arith.constant 1 : i32
    %dma_wait3A_97 = arith.constant 0 : i32
    %dma_wait3A_98 = arith.constant 0 : i32
    %dma_wait3A_99 = tpu.memref_slice %arg6[%dma_wait3A_96, %dma_wait3A_97, %dma_wait3A_98] : memref<5x128x128xf32, #tpu.memory_space<vmem>> -> memref<1x128x128xf32, #tpu.memory_space<vmem>>
    %dma_wait3A_100 = tpu.memref_squeeze %dma_wait3A_99 : memref<1x128x128xf32, #tpu.memory_space<vmem>> -> memref<128x128xf32, #tpu.memory_space<vmem>>
    %dma_wait3A_101 = arith.constant 0 : i32
    %dma_wait3A_102 = arith.constant 0 : i32
    %dma_wait3A_103 = tpu.memref_slice %arg3[%dma_wait3A_101, %dma_wait3A_102] : memref<100000x128xf32, #tpu.memory_space<hbm>> -> memref<128x128xf32, #tpu.memory_space<hbm>>
    %dma_wait3A_104 = arith.constant 0 : i32
    %dma_wait3A_105 = arith.constant 0 : i32
    %dma_wait3A_106 = tpu.memref_slice %arg6[%dma_wait3A_96, %dma_wait3A_104, %dma_wait3A_105] : memref<5x128x128xf32, #tpu.memory_space<vmem>> -> memref<1x128x128xf32, #tpu.memory_space<vmem>>
    %dma_wait3A_107 = tpu.memref_squeeze %dma_wait3A_106 : memref<1x128x128xf32, #tpu.memory_space<vmem>> -> memref<128x128xf32, #tpu.memory_space<vmem>>
    %dma_wait3A_108 = arith.constant 0 : i32
    %dma_wait3A_109 = arith.constant 0 : i32
    %dma_wait3A_110 = tpu.memref_slice %arg3[%dma_wait3A_108, %dma_wait3A_109] : memref<100000x128xf32, #tpu.memory_space<hbm>> -> memref<128x128xf32, #tpu.memory_space<hbm>>
    tpu.wait_dma2 semaphore(%arg8 : memref<!tpu.dma_semaphore, #tpu.memory_space<semaphore_mem>>) src(%dma_wait3A_110 : memref<128x128xf32, #tpu.memory_space<hbm>>) dst(%dma_wait3A_107 : memref<128x128xf32, #tpu.memory_space<vmem>>)
    %dma_start3A_111 = arith.constant 1 : i32
    %dma_start3A_112 = arith.constant 46 : i32
    %dma_start3A_113 = arith.constant 0 : i32
    %dma_start3A_114 = arith.constant 0 : i32
    %dma_start3A_115 = tpu.memref_slice %arg6[%dma_start3A_111, %dma_start3A_113, %dma_start3A_114] : memref<5x128x128xf32, #tpu.memory_space<vmem>> -> memref<1x128x128xf32, #tpu.memory_space<vmem>>
    %dma_start3A_116 = tpu.memref_squeeze %dma_start3A_115 : memref<1x128x128xf32, #tpu.memory_space<vmem>> -> memref<128x128xf32, #tpu.memory_space<vmem>>
    %dma_start3A_117 = arith.constant 0 : i32
    %dma_start3A_118 = tpu.memref_slice %arg4[%dma_start3A_112, %mul3A_2, %dma_start3A_117] : memref<50x4096x128xf32, #tpu.memory_space<hbm>> -> memref<1x128x128xf32, #tpu.memory_space<hbm>>
    %dma_start3A_119 = tpu.memref_squeeze %dma_start3A_118 : memref<1x128x128xf32, #tpu.memory_space<hbm>> -> memref<128x128xf32, #tpu.memory_space<hbm>>
    %dma_start3A_120 = arith.constant 0 : i32
    %dma_start3A_121 = tpu.memref_slice %arg4[%dma_start3A_112, %mul3A_2, %dma_start3A_120] : memref<50x4096x128xf32, #tpu.memory_space<hbm>> -> memref<1x128x128xf32, #tpu.memory_space<hbm>>
    %dma_start3A_122 = tpu.memref_squeeze %dma_start3A_121 : memref<1x128x128xf32, #tpu.memory_space<hbm>> -> memref<128x128xf32, #tpu.memory_space<hbm>>
    %dma_start3A_123 = arith.constant 0 : i32
    %dma_start3A_124 = arith.constant 0 : i32
    %dma_start3A_125 = tpu.memref_slice %arg6[%dma_start3A_111, %dma_start3A_123, %dma_start3A_124] : memref<5x128x128xf32, #tpu.memory_space<vmem>> -> memref<1x128x128xf32, #tpu.memory_space<vmem>>
    %dma_start3A_126 = tpu.memref_squeeze %dma_start3A_125 : memref<1x128x128xf32, #tpu.memory_space<vmem>> -> memref<128x128xf32, #tpu.memory_space<vmem>>
    tpu.enqueue_dma source(%dma_start3A_126 : memref<128x128xf32, #tpu.memory_space<vmem>>) target(%dma_start3A_122 : memref<128x128xf32, #tpu.memory_space<hbm>>) target_semaphore(%arg13 : memref<!tpu.dma_semaphore, #tpu.memory_space<semaphore_mem>>)
    %dma_wait3A_127 = arith.constant 2 : i32
    %dma_wait3A_128 = arith.constant 0 : i32
    %dma_wait3A_129 = arith.constant 0 : i32
    %dma_wait3A_130 = tpu.memref_slice %arg6[%dma_wait3A_127, %dma_wait3A_128, %dma_wait3A_129] : memref<5x128x128xf32, #tpu.memory_space<vmem>> -> memref<1x128x128xf32, #tpu.memory_space<vmem>>
    %dma_wait3A_131 = tpu.memref_squeeze %dma_wait3A_130 : memref<1x128x128xf32, #tpu.memory_space<vmem>> -> memref<128x128xf32, #tpu.memory_space<vmem>>
    %dma_wait3A_132 = arith.constant 0 : i32
    %dma_wait3A_133 = arith.constant 0 : i32
    %dma_wait3A_134 = tpu.memref_slice %arg3[%dma_wait3A_132, %dma_wait3A_133] : memref<100000x128xf32, #tpu.memory_space<hbm>> -> memref<128x128xf32, #tpu.memory_space<hbm>>
    %dma_wait3A_135 = arith.constant 0 : i32
    %dma_wait3A_136 = arith.constant 0 : i32
    %dma_wait3A_137 = tpu.memref_slice %arg6[%dma_wait3A_127, %dma_wait3A_135, %dma_wait3A_136] : memref<5x128x128xf32, #tpu.memory_space<vmem>> -> memref<1x128x128xf32, #tpu.memory_space<vmem>>
    %dma_wait3A_138 = tpu.memref_squeeze %dma_wait3A_137 : memref<1x128x128xf32, #tpu.memory_space<vmem>> -> memref<128x128xf32, #tpu.memory_space<vmem>>
    %dma_wait3A_139 = arith.constant 0 : i32
    %dma_wait3A_140 = arith.constant 0 : i32
    %dma_wait3A_141 = tpu.memref_slice %arg3[%dma_wait3A_139, %dma_wait3A_140] : memref<100000x128xf32, #tpu.memory_space<hbm>> -> memref<128x128xf32, #tpu.memory_space<hbm>>
    tpu.wait_dma2 semaphore(%arg9 : memref<!tpu.dma_semaphore, #tpu.memory_space<semaphore_mem>>) src(%dma_wait3A_141 : memref<128x128xf32, #tpu.memory_space<hbm>>) dst(%dma_wait3A_138 : memref<128x128xf32, #tpu.memory_space<vmem>>)
    %dma_start3A_142 = arith.constant 2 : i32
    %dma_start3A_143 = arith.constant 47 : i32
    %dma_start3A_144 = arith.constant 0 : i32
    %dma_start3A_145 = arith.constant 0 : i32
    %dma_start3A_146 = tpu.memref_slice %arg6[%dma_start3A_142, %dma_start3A_144, %dma_start3A_145] : memref<5x128x128xf32, #tpu.memory_space<vmem>> -> memref<1x128x128xf32, #tpu.memory_space<vmem>>
    %dma_start3A_147 = tpu.memref_squeeze %dma_start3A_146 : memref<1x128x128xf32, #tpu.memory_space<vmem>> -> memref<128x128xf32, #tpu.memory_space<vmem>>
    %dma_start3A_148 = arith.constant 0 : i32
    %dma_start3A_149 = tpu.memref_slice %arg4[%dma_start3A_143, %mul3A_2, %dma_start3A_148] : memref<50x4096x128xf32, #tpu.memory_space<hbm>> -> memref<1x128x128xf32, #tpu.memory_space<hbm>>
    %dma_start3A_150 = tpu.memref_squeeze %dma_start3A_149 : memref<1x128x128xf32, #tpu.memory_space<hbm>> -> memref<128x128xf32, #tpu.memory_space<hbm>>
    %dma_start3A_151 = arith.constant 0 : i32
    %dma_start3A_152 = tpu.memref_slice %arg4[%dma_start3A_143, %mul3A_2, %dma_start3A_151] : memref<50x4096x128xf32, #tpu.memory_space<hbm>> -> memref<1x128x128xf32, #tpu.memory_space<hbm>>
    %dma_start3A_153 = tpu.memref_squeeze %dma_start3A_152 : memref<1x128x128xf32, #tpu.memory_space<hbm>> -> memref<128x128xf32, #tpu.memory_space<hbm>>
    %dma_start3A_154 = arith.constant 0 : i32
    %dma_start3A_155 = arith.constant 0 : i32
    %dma_start3A_156 = tpu.memref_slice %arg6[%dma_start3A_142, %dma_start3A_154, %dma_start3A_155] : memref<5x128x128xf32, #tpu.memory_space<vmem>> -> memref<1x128x128xf32, #tpu.memory_space<vmem>>
    %dma_start3A_157 = tpu.memref_squeeze %dma_start3A_156 : memref<1x128x128xf32, #tpu.memory_space<vmem>> -> memref<128x128xf32, #tpu.memory_space<vmem>>
    tpu.enqueue_dma source(%dma_start3A_157 : memref<128x128xf32, #tpu.memory_space<vmem>>) target(%dma_start3A_153 : memref<128x128xf32, #tpu.memory_space<hbm>>) target_semaphore(%arg14 : memref<!tpu.dma_semaphore, #tpu.memory_space<semaphore_mem>>)
    %dma_wait3A_158 = arith.constant 3 : i32
    %dma_wait3A_159 = arith.constant 0 : i32
    %dma_wait3A_160 = arith.constant 0 : i32
    %dma_wait3A_161 = tpu.memref_slice %arg6[%dma_wait3A_158, %dma_wait3A_159, %dma_wait3A_160] : memref<5x128x128xf32, #tpu.memory_space<vmem>> -> memref<1x128x128xf32, #tpu.memory_space<vmem>>
    %dma_wait3A_162 = tpu.memref_squeeze %dma_wait3A_161 : memref<1x128x128xf32, #tpu.memory_space<vmem>> -> memref<128x128xf32, #tpu.memory_space<vmem>>
    %dma_wait3A_163 = arith.constant 0 : i32
    %dma_wait3A_164 = arith.constant 0 : i32
    %dma_wait3A_165 = tpu.memref_slice %arg3[%dma_wait3A_163, %dma_wait3A_164] : memref<100000x128xf32, #tpu.memory_space<hbm>> -> memref<128x128xf32, #tpu.memory_space<hbm>>
    %dma_wait3A_166 = arith.constant 0 : i32
    %dma_wait3A_167 = arith.constant 0 : i32
    %dma_wait3A_168 = tpu.memref_slice %arg6[%dma_wait3A_158, %dma_wait3A_166, %dma_wait3A_167] : memref<5x128x128xf32, #tpu.memory_space<vmem>> -> memref<1x128x128xf32, #tpu.memory_space<vmem>>
    %dma_wait3A_169 = tpu.memref_squeeze %dma_wait3A_168 : memref<1x128x128xf32, #tpu.memory_space<vmem>> -> memref<128x128xf32, #tpu.memory_space<vmem>>
    %dma_wait3A_170 = arith.constant 0 : i32
    %dma_wait3A_171 = arith.constant 0 : i32
    %dma_wait3A_172 = tpu.memref_slice %arg3[%dma_wait3A_170, %dma_wait3A_171] : memref<100000x128xf32, #tpu.memory_space<hbm>> -> memref<128x128xf32, #tpu.memory_space<hbm>>
    tpu.wait_dma2 semaphore(%arg10 : memref<!tpu.dma_semaphore, #tpu.memory_space<semaphore_mem>>) src(%dma_wait3A_172 : memref<128x128xf32, #tpu.memory_space<hbm>>) dst(%dma_wait3A_169 : memref<128x128xf32, #tpu.memory_space<vmem>>)
    %dma_start3A_173 = arith.constant 3 : i32
    %dma_start3A_174 = arith.constant 48 : i32
    %dma_start3A_175 = arith.constant 0 : i32
    %dma_start3A_176 = arith.constant 0 : i32
    %dma_start3A_177 = tpu.memref_slice %arg6[%dma_start3A_173, %dma_start3A_175, %dma_start3A_176] : memref<5x128x128xf32, #tpu.memory_space<vmem>> -> memref<1x128x128xf32, #tpu.memory_space<vmem>>
    %dma_start3A_178 = tpu.memref_squeeze %dma_start3A_177 : memref<1x128x128xf32, #tpu.memory_space<vmem>> -> memref<128x128xf32, #tpu.memory_space<vmem>>
    %dma_start3A_179 = arith.constant 0 : i32
    %dma_start3A_180 = tpu.memref_slice %arg4[%dma_start3A_174, %mul3A_2, %dma_start3A_179] : memref<50x4096x128xf32, #tpu.memory_space<hbm>> -> memref<1x128x128xf32, #tpu.memory_space<hbm>>
    %dma_start3A_181 = tpu.memref_squeeze %dma_start3A_180 : memref<1x128x128xf32, #tpu.memory_space<hbm>> -> memref<128x128xf32, #tpu.memory_space<hbm>>
    %dma_start3A_182 = arith.constant 0 : i32
    %dma_start3A_183 = tpu.memref_slice %arg4[%dma_start3A_174, %mul3A_2, %dma_start3A_182] : memref<50x4096x128xf32, #tpu.memory_space<hbm>> -> memref<1x128x128xf32, #tpu.memory_space<hbm>>
    %dma_start3A_184 = tpu.memref_squeeze %dma_start3A_183 : memref<1x128x128xf32, #tpu.memory_space<hbm>> -> memref<128x128xf32, #tpu.memory_space<hbm>>
    %dma_start3A_185 = arith.constant 0 : i32
    %dma_start3A_186 = arith.constant 0 : i32
    %dma_start3A_187 = tpu.memref_slice %arg6[%dma_start3A_173, %dma_start3A_185, %dma_start3A_186] : memref<5x128x128xf32, #tpu.memory_space<vmem>> -> memref<1x128x128xf32, #tpu.memory_space<vmem>>
    %dma_start3A_188 = tpu.memref_squeeze %dma_start3A_187 : memref<1x128x128xf32, #tpu.memory_space<vmem>> -> memref<128x128xf32, #tpu.memory_space<vmem>>
    tpu.enqueue_dma source(%dma_start3A_188 : memref<128x128xf32, #tpu.memory_space<vmem>>) target(%dma_start3A_184 : memref<128x128xf32, #tpu.memory_space<hbm>>) target_semaphore(%arg15 : memref<!tpu.dma_semaphore, #tpu.memory_space<semaphore_mem>>)
    %dma_wait3A_189 = arith.constant 4 : i32
    %dma_wait3A_190 = arith.constant 0 : i32
    %dma_wait3A_191 = arith.constant 0 : i32
    %dma_wait3A_192 = tpu.memref_slice %arg6[%dma_wait3A_189, %dma_wait3A_190, %dma_wait3A_191] : memref<5x128x128xf32, #tpu.memory_space<vmem>> -> memref<1x128x128xf32, #tpu.memory_space<vmem>>
    %dma_wait3A_193 = tpu.memref_squeeze %dma_wait3A_192 : memref<1x128x128xf32, #tpu.memory_space<vmem>> -> memref<128x128xf32, #tpu.memory_space<vmem>>
    %dma_wait3A_194 = arith.constant 0 : i32
    %dma_wait3A_195 = arith.constant 0 : i32
    %dma_wait3A_196 = tpu.memref_slice %arg3[%dma_wait3A_194, %dma_wait3A_195] : memref<100000x128xf32, #tpu.memory_space<hbm>> -> memref<128x128xf32, #tpu.memory_space<hbm>>
    %dma_wait3A_197 = arith.constant 0 : i32
    %dma_wait3A_198 = arith.constant 0 : i32
    %dma_wait3A_199 = tpu.memref_slice %arg6[%dma_wait3A_189, %dma_wait3A_197, %dma_wait3A_198] : memref<5x128x128xf32, #tpu.memory_space<vmem>> -> memref<1x128x128xf32, #tpu.memory_space<vmem>>
    %dma_wait3A_200 = tpu.memref_squeeze %dma_wait3A_199 : memref<1x128x128xf32, #tpu.memory_space<vmem>> -> memref<128x128xf32, #tpu.memory_space<vmem>>
    %dma_wait3A_201 = arith.constant 0 : i32
    %dma_wait3A_202 = arith.constant 0 : i32
    %dma_wait3A_203 = tpu.memref_slice %arg3[%dma_wait3A_201, %dma_wait3A_202] : memref<100000x128xf32, #tpu.memory_space<hbm>> -> memref<128x128xf32, #tpu.memory_space<hbm>>
    tpu.wait_dma2 semaphore(%arg11 : memref<!tpu.dma_semaphore, #tpu.memory_space<semaphore_mem>>) src(%dma_wait3A_203 : memref<128x128xf32, #tpu.memory_space<hbm>>) dst(%dma_wait3A_200 : memref<128x128xf32, #tpu.memory_space<vmem>>)
    %dma_start3A_204 = arith.constant 4 : i32
    %dma_start3A_205 = arith.constant 49 : i32
    %dma_start3A_206 = arith.constant 0 : i32
    %dma_start3A_207 = arith.constant 0 : i32
    %dma_start3A_208 = tpu.memref_slice %arg6[%dma_start3A_204, %dma_start3A_206, %dma_start3A_207] : memref<5x128x128xf32, #tpu.memory_space<vmem>> -> memref<1x128x128xf32, #tpu.memory_space<vmem>>
    %dma_start3A_209 = tpu.memref_squeeze %dma_start3A_208 : memref<1x128x128xf32, #tpu.memory_space<vmem>> -> memref<128x128xf32, #tpu.memory_space<vmem>>
    %dma_start3A_210 = arith.constant 0 : i32
    %dma_start3A_211 = tpu.memref_slice %arg4[%dma_start3A_205, %mul3A_2, %dma_start3A_210] : memref<50x4096x128xf32, #tpu.memory_space<hbm>> -> memref<1x128x128xf32, #tpu.memory_space<hbm>>
    %dma_start3A_212 = tpu.memref_squeeze %dma_start3A_211 : memref<1x128x128xf32, #tpu.memory_space<hbm>> -> memref<128x128xf32, #tpu.memory_space<hbm>>
    %dma_start3A_213 = arith.constant 0 : i32
    %dma_start3A_214 = tpu.memref_slice %arg4[%dma_start3A_205, %mul3A_2, %dma_start3A_213] : memref<50x4096x128xf32, #tpu.memory_space<hbm>> -> memref<1x128x128xf32, #tpu.memory_space<hbm>>
    %dma_start3A_215 = tpu.memref_squeeze %dma_start3A_214 : memref<1x128x128xf32, #tpu.memory_space<hbm>> -> memref<128x128xf32, #tpu.memory_space<hbm>>
    %dma_start3A_216 = arith.constant 0 : i32
    %dma_start3A_217 = arith.constant 0 : i32
    %dma_start3A_218 = tpu.memref_slice %arg6[%dma_start3A_204, %dma_start3A_216, %dma_start3A_217] : memref<5x128x128xf32, #tpu.memory_space<vmem>> -> memref<1x128x128xf32, #tpu.memory_space<vmem>>
    %dma_start3A_219 = tpu.memref_squeeze %dma_start3A_218 : memref<1x128x128xf32, #tpu.memory_space<vmem>> -> memref<128x128xf32, #tpu.memory_space<vmem>>
    tpu.enqueue_dma source(%dma_start3A_219 : memref<128x128xf32, #tpu.memory_space<vmem>>) target(%dma_start3A_215 : memref<128x128xf32, #tpu.memory_space<hbm>>) target_semaphore(%arg16 : memref<!tpu.dma_semaphore, #tpu.memory_space<semaphore_mem>>)
    %dma_wait3A_220 = arith.constant 0 : i32
    %dma_wait3A_221 = arith.constant 0 : i32
    %dma_wait3A_222 = arith.constant 0 : i32
    %dma_wait3A_223 = arith.constant 0 : i32
    %dma_wait3A_224 = tpu.memref_slice %arg6[%dma_wait3A_220, %dma_wait3A_222, %dma_wait3A_223] : memref<5x128x128xf32, #tpu.memory_space<vmem>> -> memref<1x128x128xf32, #tpu.memory_space<vmem>>
    %dma_wait3A_225 = tpu.memref_squeeze %dma_wait3A_224 : memref<1x128x128xf32, #tpu.memory_space<vmem>> -> memref<128x128xf32, #tpu.memory_space<vmem>>
    %dma_wait3A_226 = arith.constant 0 : i32
    %dma_wait3A_227 = tpu.memref_slice %arg4[%dma_wait3A_221, %mul3A_2, %dma_wait3A_226] : memref<50x4096x128xf32, #tpu.memory_space<hbm>> -> memref<1x128x128xf32, #tpu.memory_space<hbm>>
    %dma_wait3A_228 = tpu.memref_squeeze %dma_wait3A_227 : memref<1x128x128xf32, #tpu.memory_space<hbm>> -> memref<128x128xf32, #tpu.memory_space<hbm>>
    %dma_wait3A_229 = arith.constant 0 : i32
    %dma_wait3A_230 = tpu.memref_slice %arg4[%dma_wait3A_221, %mul3A_2, %dma_wait3A_229] : memref<50x4096x128xf32, #tpu.memory_space<hbm>> -> memref<1x128x128xf32, #tpu.memory_space<hbm>>
    %dma_wait3A_231 = tpu.memref_squeeze %dma_wait3A_230 : memref<1x128x128xf32, #tpu.memory_space<hbm>> -> memref<128x128xf32, #tpu.memory_space<hbm>>
    %dma_wait3A_232 = arith.constant 0 : i32
    %dma_wait3A_233 = arith.constant 0 : i32
    %dma_wait3A_234 = tpu.memref_slice %arg6[%dma_wait3A_220, %dma_wait3A_232, %dma_wait3A_233] : memref<5x128x128xf32, #tpu.memory_space<vmem>> -> memref<1x128x128xf32, #tpu.memory_space<vmem>>
    %dma_wait3A_235 = tpu.memref_squeeze %dma_wait3A_234 : memref<1x128x128xf32, #tpu.memory_space<vmem>> -> memref<128x128xf32, #tpu.memory_space<vmem>>
    tpu.wait_dma2 semaphore(%arg12 : memref<!tpu.dma_semaphore, #tpu.memory_space<semaphore_mem>>) src(%dma_wait3A_235 : memref<128x128xf32, #tpu.memory_space<vmem>>) dst(%dma_wait3A_231 : memref<128x128xf32, #tpu.memory_space<hbm>>)
    %dma_wait3A_236 = arith.constant 1 : i32
    %dma_wait3A_237 = arith.constant 0 : i32
    %dma_wait3A_238 = arith.constant 0 : i32
    %dma_wait3A_239 = arith.constant 0 : i32
    %dma_wait3A_240 = tpu.memref_slice %arg6[%dma_wait3A_236, %dma_wait3A_238, %dma_wait3A_239] : memref<5x128x128xf32, #tpu.memory_space<vmem>> -> memref<1x128x128xf32, #tpu.memory_space<vmem>>
    %dma_wait3A_241 = tpu.memref_squeeze %dma_wait3A_240 : memref<1x128x128xf32, #tpu.memory_space<vmem>> -> memref<128x128xf32, #tpu.memory_space<vmem>>
    %dma_wait3A_242 = arith.constant 0 : i32
    %dma_wait3A_243 = tpu.memref_slice %arg4[%dma_wait3A_237, %mul3A_2, %dma_wait3A_242] : memref<50x4096x128xf32, #tpu.memory_space<hbm>> -> memref<1x128x128xf32, #tpu.memory_space<hbm>>
    %dma_wait3A_244 = tpu.memref_squeeze %dma_wait3A_243 : memref<1x128x128xf32, #tpu.memory_space<hbm>> -> memref<128x128xf32, #tpu.memory_space<hbm>>
    %dma_wait3A_245 = arith.constant 0 : i32
    %dma_wait3A_246 = tpu.memref_slice %arg4[%dma_wait3A_237, %mul3A_2, %dma_wait3A_245] : memref<50x4096x128xf32, #tpu.memory_space<hbm>> -> memref<1x128x128xf32, #tpu.memory_space<hbm>>
    %dma_wait3A_247 = tpu.memref_squeeze %dma_wait3A_246 : memref<1x128x128xf32, #tpu.memory_space<hbm>> -> memref<128x128xf32, #tpu.memory_space<hbm>>
    %dma_wait3A_248 = arith.constant 0 : i32
    %dma_wait3A_249 = arith.constant 0 : i32
    %dma_wait3A_250 = tpu.memref_slice %arg6[%dma_wait3A_236, %dma_wait3A_248, %dma_wait3A_249] : memref<5x128x128xf32, #tpu.memory_space<vmem>> -> memref<1x128x128xf32, #tpu.memory_space<vmem>>
    %dma_wait3A_251 = tpu.memref_squeeze %dma_wait3A_250 : memref<1x128x128xf32, #tpu.memory_space<vmem>> -> memref<128x128xf32, #tpu.memory_space<vmem>>
    tpu.wait_dma2 semaphore(%arg13 : memref<!tpu.dma_semaphore, #tpu.memory_space<semaphore_mem>>) src(%dma_wait3A_251 : memref<128x128xf32, #tpu.memory_space<vmem>>) dst(%dma_wait3A_247 : memref<128x128xf32, #tpu.memory_space<hbm>>)
    %dma_wait3A_252 = arith.constant 2 : i32
    %dma_wait3A_253 = arith.constant 0 : i32
    %dma_wait3A_254 = arith.constant 0 : i32
    %dma_wait3A_255 = arith.constant 0 : i32
    %dma_wait3A_256 = tpu.memref_slice %arg6[%dma_wait3A_252, %dma_wait3A_254, %dma_wait3A_255] : memref<5x128x128xf32, #tpu.memory_space<vmem>> -> memref<1x128x128xf32, #tpu.memory_space<vmem>>
    %dma_wait3A_257 = tpu.memref_squeeze %dma_wait3A_256 : memref<1x128x128xf32, #tpu.memory_space<vmem>> -> memref<128x128xf32, #tpu.memory_space<vmem>>
    %dma_wait3A_258 = arith.constant 0 : i32
    %dma_wait3A_259 = tpu.memref_slice %arg4[%dma_wait3A_253, %mul3A_2, %dma_wait3A_258] : memref<50x4096x128xf32, #tpu.memory_space<hbm>> -> memref<1x128x128xf32, #tpu.memory_space<hbm>>
    %dma_wait3A_260 = tpu.memref_squeeze %dma_wait3A_259 : memref<1x128x128xf32, #tpu.memory_space<hbm>> -> memref<128x128xf32, #tpu.memory_space<hbm>>
    %dma_wait3A_261 = arith.constant 0 : i32
    %dma_wait3A_262 = tpu.memref_slice %arg4[%dma_wait3A_253, %mul3A_2, %dma_wait3A_261] : memref<50x4096x128xf32, #tpu.memory_space<hbm>> -> memref<1x128x128xf32, #tpu.memory_space<hbm>>
    %dma_wait3A_263 = tpu.memref_squeeze %dma_wait3A_262 : memref<1x128x128xf32, #tpu.memory_space<hbm>> -> memref<128x128xf32, #tpu.memory_space<hbm>>
    %dma_wait3A_264 = arith.constant 0 : i32
    %dma_wait3A_265 = arith.constant 0 : i32
    %dma_wait3A_266 = tpu.memref_slice %arg6[%dma_wait3A_252, %dma_wait3A_264, %dma_wait3A_265] : memref<5x128x128xf32, #tpu.memory_space<vmem>> -> memref<1x128x128xf32, #tpu.memory_space<vmem>>
    %dma_wait3A_267 = tpu.memref_squeeze %dma_wait3A_266 : memref<1x128x128xf32, #tpu.memory_space<vmem>> -> memref<128x128xf32, #tpu.memory_space<vmem>>
    tpu.wait_dma2 semaphore(%arg14 : memref<!tpu.dma_semaphore, #tpu.memory_space<semaphore_mem>>) src(%dma_wait3A_267 : memref<128x128xf32, #tpu.memory_space<vmem>>) dst(%dma_wait3A_263 : memref<128x128xf32, #tpu.memory_space<hbm>>)
    %dma_wait3A_268 = arith.constant 3 : i32
    %dma_wait3A_269 = arith.constant 0 : i32
    %dma_wait3A_270 = arith.constant 0 : i32
    %dma_wait3A_271 = arith.constant 0 : i32
    %dma_wait3A_272 = tpu.memref_slice %arg6[%dma_wait3A_268, %dma_wait3A_270, %dma_wait3A_271] : memref<5x128x128xf32, #tpu.memory_space<vmem>> -> memref<1x128x128xf32, #tpu.memory_space<vmem>>
    %dma_wait3A_273 = tpu.memref_squeeze %dma_wait3A_272 : memref<1x128x128xf32, #tpu.memory_space<vmem>> -> memref<128x128xf32, #tpu.memory_space<vmem>>
    %dma_wait3A_274 = arith.constant 0 : i32
    %dma_wait3A_275 = tpu.memref_slice %arg4[%dma_wait3A_269, %mul3A_2, %dma_wait3A_274] : memref<50x4096x128xf32, #tpu.memory_space<hbm>> -> memref<1x128x128xf32, #tpu.memory_space<hbm>>
    %dma_wait3A_276 = tpu.memref_squeeze %dma_wait3A_275 : memref<1x128x128xf32, #tpu.memory_space<hbm>> -> memref<128x128xf32, #tpu.memory_space<hbm>>
    %dma_wait3A_277 = arith.constant 0 : i32
    %dma_wait3A_278 = tpu.memref_slice %arg4[%dma_wait3A_269, %mul3A_2, %dma_wait3A_277] : memref<50x4096x128xf32, #tpu.memory_space<hbm>> -> memref<1x128x128xf32, #tpu.memory_space<hbm>>
    %dma_wait3A_279 = tpu.memref_squeeze %dma_wait3A_278 : memref<1x128x128xf32, #tpu.memory_space<hbm>> -> memref<128x128xf32, #tpu.memory_space<hbm>>
    %dma_wait3A_280 = arith.constant 0 : i32
    %dma_wait3A_281 = arith.constant 0 : i32
    %dma_wait3A_282 = tpu.memref_slice %arg6[%dma_wait3A_268, %dma_wait3A_280, %dma_wait3A_281] : memref<5x128x128xf32, #tpu.memory_space<vmem>> -> memref<1x128x128xf32, #tpu.memory_space<vmem>>
    %dma_wait3A_283 = tpu.memref_squeeze %dma_wait3A_282 : memref<1x128x128xf32, #tpu.memory_space<vmem>> -> memref<128x128xf32, #tpu.memory_space<vmem>>
    tpu.wait_dma2 semaphore(%arg15 : memref<!tpu.dma_semaphore, #tpu.memory_space<semaphore_mem>>) src(%dma_wait3A_283 : memref<128x128xf32, #tpu.memory_space<vmem>>) dst(%dma_wait3A_279 : memref<128x128xf32, #tpu.memory_space<hbm>>)
    %dma_wait3A_284 = arith.constant 4 : i32
    %dma_wait3A_285 = arith.constant 0 : i32
    %dma_wait3A_286 = arith.constant 0 : i32
    %dma_wait3A_287 = arith.constant 0 : i32
    %dma_wait3A_288 = tpu.memref_slice %arg6[%dma_wait3A_284, %dma_wait3A_286, %dma_wait3A_287] : memref<5x128x128xf32, #tpu.memory_space<vmem>> -> memref<1x128x128xf32, #tpu.memory_space<vmem>>
    %dma_wait3A_289 = tpu.memref_squeeze %dma_wait3A_288 : memref<1x128x128xf32, #tpu.memory_space<vmem>> -> memref<128x128xf32, #tpu.memory_space<vmem>>
    %dma_wait3A_290 = arith.constant 0 : i32
    %dma_wait3A_291 = tpu.memref_slice %arg4[%dma_wait3A_285, %mul3A_2, %dma_wait3A_290] : memref<50x4096x128xf32, #tpu.memory_space<hbm>> -> memref<1x128x128xf32, #tpu.memory_space<hbm>>
    %dma_wait3A_292 = tpu.memref_squeeze %dma_wait3A_291 : memref<1x128x128xf32, #tpu.memory_space<hbm>> -> memref<128x128xf32, #tpu.memory_space<hbm>>
    %dma_wait3A_293 = arith.constant 0 : i32
    %dma_wait3A_294 = tpu.memref_slice %arg4[%dma_wait3A_285, %mul3A_2, %dma_wait3A_293] : memref<50x4096x128xf32, #tpu.memory_space<hbm>> -> memref<1x128x128xf32, #tpu.memory_space<hbm>>
    %dma_wait3A_295 = tpu.memref_squeeze %dma_wait3A_294 : memref<1x128x128xf32, #tpu.memory_space<hbm>> -> memref<128x128xf32, #tpu.memory_space<hbm>>
    %dma_wait3A_296 = arith.constant 0 : i32
    %dma_wait3A_297 = arith.constant 0 : i32
    %dma_wait3A_298 = tpu.memref_slice %arg6[%dma_wait3A_284, %dma_wait3A_296, %dma_wait3A_297] : memref<5x128x128xf32, #tpu.memory_space<vmem>> -> memref<1x128x128xf32, #tpu.memory_space<vmem>>
    %dma_wait3A_299 = tpu.memref_squeeze %dma_wait3A_298 : memref<1x128x128xf32, #tpu.memory_space<vmem>> -> memref<128x128xf32, #tpu.memory_space<vmem>>
    tpu.wait_dma2 semaphore(%arg16 : memref<!tpu.dma_semaphore, #tpu.memory_space<semaphore_mem>>) src(%dma_wait3A_299 : memref<128x128xf32, #tpu.memory_space<vmem>>) dst(%dma_wait3A_295 : memref<128x128xf32, #tpu.memory_space<hbm>>)
    return
  }
}

</mosaic_0001>

<sc_bundles>
// kernel: kernel.3.cloned.1.call-start
scs
__scs_entry_jumppad:
0x0: {  	(pc) =	sbr.rel $0x88, $3  }
0x1: {  	(tag) =	ssettag $0x0;
	lr =	simm.s32 $0x1  }
0x2: {  	[smem:$0x3F9F] =	sst lr;
	_ =	strace $0xD0000000  }
0x3: {  	_ = 	snop  }
0x4: {  	_ = 	snop  }
0x5: {  	_ = 	snop  }
0x6: {  	_ = 	snop  }
0x7: {  	_ = 	snop  }
__scs_overlays_trampoline_lowered:
0x8: {  	[smem:$0x3FAE] =	sst s0  }
0x9: {  	[smem:$0x3FAF] =	sst s1  }
0xa: {  	[smem:$0x3FB0] =	sst s2  }
0xb: {  	[smem:$0x3FB1] =	sst s3  }
0xc: {  	[smem:$0x3FB2] =	sst s4  }
0xd: {  	[smem:$0x3FB3] =	sst s5  }
0xe: {  	[smem:$0x3FB4] =	sst s6  }
0xf: {  	[smem:$0x3FB5] =	sst s7  }
0x10: {  	[smem:$0x3FB6] =	sst s8  }
0x11: {  	[smem:$0x3FB7] =	sst s9;
	s0 =	simm.s32 @!p0 $0x0  }
0x12: {  	s1 =	sld [smem:$0x3F9D];
	s0 =	simm.s32 @p0 $0x1  }
0x13: {  	[smem:$0x3FB8] =	sst s0;
	s0 =	simm.s32 @!p1 $0x0  }
0x14: {  	s2 =	sld [smem:$0x3F9C];
	s0 =	simm.s32 @p1 $0x1  }
0x15: {  	[smem:$0x3FB9] =	sst s0;
	s0 =	simm.s32 @!p2 $0x0  }
0x16: {  	s3 =	sld [smem:$0x3FDB];
	s0 =	simm.s32 @p2 $0x1  }
0x17: {  	s4 =	simm.s32 $0x1BF5;
	[smem:$0x3FBB] =	sst s0  }
0x18: {  	s0 =	sld [smem:$0x3F9E];
	_ =	swait.ge [sflag:s4], $0x0  }
0x19: {  	s7 =	sld [smem:$0x3F9F]  }
0x1a: {  	s8 =	sadd.s32 $0xFFFFE003, lr  }
0x1b: {  	s9 =	sadd.s32 $0xFFFFFEF7, lr;
	s5 =	simm.s32 $0xFFFFFFFF;
	p2 =	slt.u32 s8, $0xFFFFF086  }
0x1c: {  	p1 =	slt.u32 s9, $0xF7A;
	s5 =	simm.s32 @!p2 $0x0  }
0x1d: {  	s5 =	simm.s32 @p1 $0x1;
	p0 =	seq.s32 s7, s2  }
0x1e: {  	s7 =	smul.u32 @!p0 $0xF7A, s2;
	p2 =	seq.s32 @!p0 s5, $0x0  }
0x1f: {  	s9 =	smul.u32 $0xF7A, s1;
	s8 =	simm.s32 @!p0 $0x1BF5;
	p2 =	por !p2, p0  }
0x20: {  	[sflag:s8] =	ssyncset.s32 @!p0 $0xFFFFF086;
	s6 =	sadd.s32 @!p0 s3, s7;
	s7 =	simm.s32 @!p0 $0x108  }
0x21: {  	s3 =	sadd.s32 s3, s9;
	s6 =	sadd.s32 @!p0 $0x88, s6;
	s7 =	simm.s32 @p2 $0x1082  }
0x22: {  	[simem:s7], [sflag:s8] =	dma.local @!p0 [hbm:s6], $0xF7A  }
0x23: {  	s9 =	sor.u32 $0xD0000000, s2;
	s6 =	simm.s32 $0x108;
	_ =	swait.ge @!p0 [sflag:s8], $0x0  }
0x24: {  	s3 =	sadd.s32 $0x88, s3;
	s6 =	simm.s32 @!p1 $0x1082;
	[sflag:s4] =	ssyncset.s32 $0xFFFFF086  }
0x25: {  	[simem:s6], [sflag:s4] =	dma.local [hbm:s3], $0xF7A  }
0x26: {  	[smem:$0x3F9F] =	sst s1;
	(tag) =	ssettag s2;
	_ =	strace s9  }
0x27: {  	s1 =	sld [smem:$0x3FAF]  }
0x28: {  	s2 =	sld [smem:$0x3FB0]  }
0x29: {  	s4 =	sld [smem:$0x3FB2]  }
0x2a: {  	p0 =	seq.s32 s5, $0x0;
	s5 =	sld [smem:$0x3FB3]  }
0x2b: {  	s6 =	sld [smem:$0x3FB4]  }
0x2c: {  	s7 =	sld [smem:$0x3FB5]  }
0x2d: {  	s3 =	simm.s32 $0x108;
	s8 =	sld [smem:$0x3FB6]  }
0x2e: {  	s3 =	simm.s32 @!p0 $0x1082;
	s9 =	sld [smem:$0x3FB7]  }
0x2f: {  	lr =	sadd.s32 s0, s3;
	s0 =	sld [smem:$0x3FAE]  }
0x30: {  	s3 =	sld [smem:$0x3FB1]  }
0x31: {  	[smem:$0x3FBA] =	sst s10  }
0x32: {  	s10 =	sld [smem:$0x3FB8];
	_ =	sdelay $0x3  }
0x33: {  	p0 =	seq.s32 s10, $0x1;
	s10 =	sld [smem:$0x3FBA];
	_ =	sdelay $0x3  }
0x34: {  	[smem:$0x3FBA] =	sst s10  }
0x35: {  	s10 =	sld [smem:$0x3FB9];
	_ =	sdelay $0x3  }
0x36: {  	p1 =	seq.s32 s10, $0x1;
	s10 =	sld [smem:$0x3FBA];
	_ =	sdelay $0x3  }
0x37: {  	[smem:$0x3FBA] =	sst s10  }
0x38: {  	s10 =	sld [smem:$0x3FBB]  }
0x39: {  	_ = 	snop;
	(pc) =	sbr.ind lr, $3  }
0x3a: {  	_ = 	snop  }
0x3b: {  	_ = 	snop  }
0x3c: {  	p2 =	seq.s32 s10, $0x1;
	s10 =	sld [smem:$0x3FBA]  }
0x3d: {  	_ =	shalt  }
0x3e: {  	_ =	shalt  }
0x3f: {  	_ =	shalt  }
0x40: {  	_ =	shalt  }
0x41: {  	_ =	shalt  }
0x42: {  	_ =	shalt  }
0x43: {  	_ =	shalt  }
0x44: {  	_ =	shalt  }
0x45: {  	_ =	shalt  }
0x46: {  	_ =	shalt  }
0x47: {  	_ =	shalt  }
0x48: {  	_ =	shalt  }
0x49: {  	_ =	shalt  }
0x4a: {  	_ =	shalt  }
0x4b: {  	_ =	shalt  }
0x4c: {  	_ =	shalt  }
0x4d: {  	_ =	shalt  }
0x4e: {  	_ =	shalt  }
0x4f: {  	_ =	shalt  }
0x50: {  	_ =	shalt  }
0x51: {  	_ =	shalt  }
0x52: {  	_ =	shalt  }
0x53: {  	_ =	shalt  }
0x54: {  	_ =	shalt  }
0x55: {  	_ =	shalt  }
0x56: {  	_ =	shalt  }
0x57: {  	_ =	shalt  }
0x58: {  	_ =	shalt  }
0x59: {  	_ =	shalt  }
0x5a: {  	_ =	shalt  }
0x5b: {  	_ =	shalt  }
0x5c: {  	_ =	shalt  }
0x5d: {  	_ =	shalt  }
0x5e: {  	_ =	shalt  }
0x5f: {  	_ =	shalt  }
0x60: {  	_ =	shalt  }
0x61: {  	_ =	shalt  }
0x62: {  	_ =	shalt  }
0x63: {  	_ =	shalt  }
0x64: {  	_ =	shalt  }
0x65: {  	_ =	shalt  }
0x66: {  	_ =	shalt  }
0x67: {  	_ =	shalt  }
0x68: {  	_ =	shalt  }
0x69: {  	_ =	shalt  }
0x6a: {  	_ =	shalt  }
0x6b: {  	_ =	shalt  }
0x6c: {  	_ =	shalt  }
0x6d: {  	_ =	shalt  }
0x6e: {  	_ =	shalt  }
0x6f: {  	_ =	shalt  }
0x70: {  	_ =	shalt  }
0x71: {  	_ =	shalt  }
0x72: {  	_ =	shalt  }
0x73: {  	_ =	shalt  }
0x74: {  	_ =	shalt  }
0x75: {  	_ =	shalt  }
0x76: {  	_ =	shalt  }
0x77: {  	_ =	shalt  }
0x78: {  	_ =	shalt  }
0x79: {  	_ =	shalt  }
0x7a: {  	_ =	shalt  }
0x7b: {  	_ =	shalt  }
0x7c: {  	_ =	shalt  }
0x7d: {  	_ =	shalt  }
0x7e: {  	_ =	shalt  }
0x7f: {  	_ =	shalt  }
0x80: {  	_ =	shalt  }
0x81: {  	_ =	shalt  }
0x82: {  	_ =	shalt  }
0x83: {  	_ =	shalt  }
0x84: {  	_ =	shalt  }
0x85: {  	_ =	shalt  }
0x86: {  	_ =	shalt  }
0x87: {  	_ =	shalt  }
.Lfunc_end0:
.L_simem_size_0:
called_computation_lowered:
.L_overlay_start_0:
0x88: {  	s2 =	sld [smem:$0x3FD9]  }
0x89: {  	s3 =	sld [smem:$0x3FFE];
	_ =	sdelay $0x1  }
0x8a: {  	s1 =	srdreg.scid  }
0x8b: {  	s0 =	sand.u32 $0x1, s1  }
0x8c: {  	s18 =	sshll.u32 s0, $0xA;
	s2 =	sadd.s32 s3, s2  }
0x8d: {  	s2 =	sadd.s32 s2, s18  }
0x8e: {  	[smem:$0x3FC6] =	sst s2  }
0x8f: {  	_ = 	snop  }
0x90: {  	s2 =	sld [smem:$0x3FC9]  }
0x91: {  	s19 =	sld [smem:$0x3FC8]  }
0x92: {  	s4 =	sld [smem:$0x3FD0];
	(tm) =	ssettm $0x1  }
0x93: {  	s5 =	sld [smem:$0x3FFB];
	_ =	sdelay $0x3  }
0x94: {  	_ =	strace s5  }
0x95: {  	s5 =	sld [smem:$0x3FFC];
	_ =	sdelay $0x3  }
0x96: {  	_ =	strace s5  }
0x97: {  	s5 =	sld [smem:$0x3FFD];
	_ =	sdelay $0x3  }
0x98: {  	_ =	strace s5  }
0x99: {  	_ =	strace $0x8FFFFFFF  }
0x9a: {  	s20 =	sld [smem:$0x3FDB];
	_ =	sdelay $0x1  }
0x9b: {  	s6 =	simm.s32 $_scs_section_size  }
0x9c: {  	s7 =	simm.s32 $_size__tile_overlayer_lowered;
	s8 =	simm.s32 $_tile_overlayer_lowered  }
0x9d: {  	s23 =	simm.s32 $0x1BFF;
	s22 =	sshll.u32 s8, $0x1;
	s5 =	sadd.s32 s6, s20  }
0x9e: {  	s9 =	simm.s32 $0x0;
	s21 =	sshll.u32 s7, $0x1;
	s7 =	sadd.s32 s22, s5  }
0x9f: {  	[timem:s9], [sflag:s23] =	dma.local [hbm:s7], s21  }
0xa0: {  	_ =	swait.ge [sflag:s23], s21  }
0xa1: {  	s6 =	ssub.s32 $0x0, s21;
	[sflag:s23] =	ssyncset.done $0x0  }
0xa2: {  	[sflag:s23] =	ssyncadd.s32 s6;
	_ =	sdelay $0x1  }
0xa3: {  	s24 =	simm.s32 $0x1B8B  }
0xa4: {  	_ =	swait.ge [sflag:s24], $0x1  }
0xa5: {  	[sflag:s24] =	ssyncset.done $0x0  }
0xa6: {  	s25 =	simm.s32 $0x1B8E;
	[sflag:s24] =	ssyncadd.s32 $0xFFFFFFFF  }
0xa7: {  	s26 =	simm.s32 $execute0_lowered;
	[smem:$0x3FD2] =	sst s25  }
0xa8: {  	s6 =	sshll.u32 s26, $0x1;
	_ =	strace $0x80000046;
	[dreg:$0x1] =	wrdreg $0xFFFFFFFF  }
0xa9: {  	s28 =	simm.s32 $_size_execute0_lowered;
	s5 =	sadd.s32 s5, s6;
	[dreg:$0x0] =	wrdreg $0x0  }
0xaa: {  	s6 =	sshll.u32 s28, $0x1;
	[dreg:$0x2] =	wrdreg s5  }
0xab: {  	[dreg:$0x3] =	wrdreg s6  }
0xac: {  	[dreg:$0x4] =	wrdreg $0xC0  }
0xad: {  	_ =	task [dreg:s9], $0x5FFFF  }
0xae: {  	[dreg:$0x1] =	wrdreg $0xFFFFFFFF  }
0xaf: {  	[dreg:$0x0] =	wrdreg $0x60  }
0xb0: {  	[dreg:$0x2] =	wrdreg s2  }
0xb1: {  	[dreg:$0x3] =	wrdreg s19  }
0xb2: {  	[dreg:$0x4] =	wrdreg s4  }
0xb3: {  	[dreg:$0x5] =	wrdreg $0x9  }
0xb4: {  	_ =	task.clear_ibuf [dreg:s9], $0x6FFFF;
	_ =	strace $0x90000046  }
0xb5: {  	s29 =	simm.s32 $0x9;
	_ =	strace $0x80000048  }
0xb6: {  	_ =	swait.ge [sflag:s29], $0x1  }
0xb7: {  	[sflag:s29] =	ssyncadd.s32 $0xFFFFFFFF  }
0xb8: {  	_ =	strace $0x90000048  }
0xb9: {  	_ =	sfence  }
0xba: {  	s30 =	sld [smem:$0x0];
	_ =	sdelay $0x2  }
0xbb: {  	s31 =	sshll.u32 s1, $0xD;
	s1 =	sshrl.u32 s1, $0x2  }
0xbc: {  	s3 =	sand.u32 $0x4000, s31;
	s1 =	sadd.s32 s1, s30  }
0xbd: {  	s0 =	sor.u32 s3, s0;
	s1 =	sshll.u32 s1, $0x11  }
0xbe: {  	s0 =	sor.u32 s1, s0  }
0xbf: {  	s0 =	sadd.s32 $0x8F2B, s0  }
0xc0: {  	[sflag:s0] =	ssyncadd.remote.s32 $0x1  }
0xc1: {  	_ =	sfence.sel $0xFFFF  }
0xc2: {  	[dreg:$0x0] =	wrdreg $0xFFFFFFFF;
	(pc) =	sbr.abs _section_cstart, $3  }
0xc3: {  	[dreg:$0x1] =	wrdreg $0xFFFFFFFF  }
0xc4: {  	_ =	task.clear_ibuf [dreg:s9], $0x2FFFF;
	_ =	strace $0x9FFFFFFF  }
0xc5: {  	(tm) =	ssettm $0x7FFFFFFF  }
tec
execute0_lowered:
.L_overlay_start_1:
0x0: {  	(tag) =	ssettag $0x1  }
0x1: {  	s0 =	rddreg [dreg:$0x0]  }
0x2: {  	s2 =	rddreg [dreg:$0x1]  }
0x3: {  	s1 =	rddreg [dreg:$0x2]  }
0x4: {  	s3 =	srdreg.scid;
	s8 =	stileid.u32  }
0x5: {  	s28 =	simm.s32 $0xDC00;
	s30 =	simm.s32 $0x11C00;
	s31 =	simm.s32 $0x1  }
0x6: {  	s29 =	simm.s32 $0x9;
	s4 =	sand.u32 $0x1, s3;
	s3 =	simm.s32 $0x0  }
0x7: {  	s5 =	sshll.u32 s8, $0x8;
	s15 =	sshll.u32 s8, $0xF;
	s6 =	sshll.u32 s4, $0x7  }
0x8: {  	[smem:$0x7FF] =	sst s3;
	s7 =	ssub.s32 $0x2, s4;
	s4 =	sshll.u32 s4, $0xE  }
0x9: {  	s5 =	sor.u32 s6, s5;
	_ =	strace $0x80000047;
	s12 =	sshrl.u32 s7, $0x1  }
0xa: {  	s4 =	sor.u32 s4, s15;
	s6 =	simm.s32 $0x0;
	s9 =	sadd.s32 s0, s5  }
0xb: {  	s13 =	ssub.s32 s7, s12;
	s5 =	sshll.u32 s5, $0x4;
	s20 =	sor.u32 $0x200000, s4  }
0xc: {  	s22 =	sor.u32 $0x180000, s4;
	s25 =	sor.u32 $0x100000, s4;
	s26 =	sor.u32 $0x80000, s4  }
0xd: {  	s4 =	sshrl.u32 s4, $0x3;
	[dreg:$0x4] =	wrdreg s9;
	s14 =	sadd.s32 $0x6000, s9  }
0xe: {  	s5 =	sadd.s32 s5, s1;
	s0 =	smax.u32 s13, $0x1;
	[dreg:$0x5] =	wrdreg s14  }
0xf: {  	s21 =	sshrl.u32 s20, $0x3;
	s16 =	sadd.s32 $0x2D0000, s5;
	[dreg:$0xb] =	wrdreg s0  }
0x10: {  	s24 =	sshrl.u32 s22, $0x3;
	s17 =	sadd.s32 $0x2E0000, s5;
	[dreg:$0x6] =	wrdreg s16  }
0x11: {  	s22 =	simm.s32 $0x1C00;
	s18 =	sadd.s32 $0x2F0000, s5;
	[dreg:$0x7] =	wrdreg s17  }
0x12: {  	s19 =	sadd.s32 $0x300000, s5;
	s5 =	sadd.s32 $0x310000, s5;
	[dreg:$0x8] =	wrdreg s18  }
0x13: {  	s23 =	sadd.s32 s21, s1;
	s13 =	sadd.s32 s24, s1;
	[dreg:$0x9] =	wrdreg s19  }
0x14: {  	s0 =	sshrl.u32 s25, $0x3;
	s21 =	simm.s32 $0x80;
	[dreg:$0xa] =	wrdreg s5  }
0x15: {  	s25 =	simm.s32 $0x9C00;
	s24 =	simm.s32 $0x7;
	[dreg:$0xc] =	wrdreg s23  }
0x16: {  	s5 =	sshrl.u32 s26, $0x3;
	s14 =	sadd.s32 s0, s1;
	s16 =	sadd.s32 s4, s1  }
0x17: {  	s23 =	simm.s32 $0x5C00;
	s0 =	simm.s32 $0x2;
	s17 =	simm.s32 $0x4  }
0x18: {  	s18 =	simm.s32 $0x5;
	s19 =	simm.s32 $0x6;
	s26 =	simm.s32 $0x8  }
0x19: {  	s15 =	sadd.s32 s5, s1;
	s1 =	simm.s32 $0x3;
	s5 =	simm.s32 $0xA  }
.LBB2_1:
0x1a: {  	s4 =	rddreg [dreg:$0x4];
	s7 =	simm.s32 $0x400;
	s8 =	simm.s32 $0x8000  }
0x1b: {  	[tilespmem:s3], [sflag:$0xB] =	stream.strided.gather [hbm4b:s4+s7], $0x1800, s8, s7, $0x38;
	[tilespmem:$0x15C00] =	vst v63  }
0x1c: {  	s10 =	rddreg [dreg:$0x5];
	s11 =	simm.s32 $0x1800;
	s12 =	simm.s32 $0xB  }
0x1d: {  	[tilespmem:s11], [sflag:$0xB] =	stream.linear.gather [hbm4b:s10+s3], $0x100, $0x38;
	[tilespmem:$0x15C00] =	vst v63  }
0x1e: {  	_ =	swait.ge [sflag:s12], $0x1900  }
0x1f: {  	[sflag:s12] =	ssyncset.done $0x0  }
0x20: {  	[sflag:s12] =	ssyncadd.s32 $0xFFFFE700  }
0x21: {  	[tilespmem:s22], [sflag:$0x1] =	stream.indirect.gather [hbm4b:s2+s21], $0x80, s3, s21, $0xb8;
	[tilespmem:$0x15C00] =	vst v63  }
0x22: {  	_ = 	snop  }
0x23: {  	[tilespmem:s23], [sflag:$0x2] =	stream.indirect.gather [hbm4b:s2+s21], $0x80, s21, s21, $0xb8;
	[tilespmem:$0x15C00] =	vst v63  }
0x24: {  	s20 =	simm.s32 $0x100  }
0x25: {  	[tilespmem:s25], [sflag:$0x3] =	stream.indirect.gather [hbm4b:s2+s21], $0x80, s20, s21, $0xb8;
	[tilespmem:$0x15C00] =	vst v63  }
0x26: {  	s7 =	simm.s32 $0x180  }
0x27: {  	[tilespmem:s28], [sflag:$0x4] =	stream.indirect.gather [hbm4b:s2+s21], $0x80, s7, s21, $0xb8;
	[tilespmem:$0x15C00] =	vst v63  }
0x28: {  	s8 =	simm.s32 $0x200  }
0x29: {  	[tilespmem:s30], [sflag:$0x5] =	stream.indirect.gather [hbm4b:s2+s21], $0x80, s8, s21, $0xb8;
	[tilespmem:$0x15C00] =	vst v63  }
0x2a: {  	_ =	swait.ge [sflag:s31], $0x4000  }
0x2b: {  	[sflag:s31] =	ssyncset.done $0x0  }
0x2c: {  	[sflag:s31] =	ssyncadd.s32 $0xFFFFC000  }
0x2d: {  	[hbm4b:s16+s3] =	stream.linear.scatter [tilespmem:s22], [sflag:$0x6], $0x4000, $0x38;
	[tilespmem:$0x15C00] =	vst v63  }
0x2e: {  	_ =	swait.ge [sflag:s0], $0x4000  }
0x2f: {  	[sflag:s0] =	ssyncset.done $0x0  }
0x30: {  	[sflag:s0] =	ssyncadd.s32 $0xFFFFC000  }
0x31: {  	[hbm4b:s15+s3] =	stream.linear.scatter [tilespmem:s23], [sflag:$0x7], $0x4000, $0x38;
	[tilespmem:$0x15C00] =	vst v63  }
0x32: {  	_ =	swait.ge [sflag:s1], $0x4000  }
0x33: {  	[sflag:s1] =	ssyncset.done $0x0  }
0x34: {  	[sflag:s1] =	ssyncadd.s32 $0xFFFFC000  }
0x35: {  	[hbm4b:s14+s3] =	stream.linear.scatter [tilespmem:s25], [sflag:$0x8], $0x4000, $0x38;
	[tilespmem:$0x15C00] =	vst v63  }
0x36: {  	_ =	swait.ge [sflag:s17], $0x4000  }
0x37: {  	[sflag:s17] =	ssyncset.done $0x0  }
0x38: {  	[sflag:s17] =	ssyncadd.s32 $0xFFFFC000  }
0x39: {  	[hbm4b:s13+s3] =	stream.linear.scatter [tilespmem:s28], [sflag:$0x9], $0x4000, $0x38;
	[tilespmem:$0x15C00] =	vst v63  }
0x3a: {  	_ =	swait.ge [sflag:s18], $0x4000  }
0x3b: {  	[sflag:s18] =	ssyncset.done $0x0  }
0x3c: {  	s11 =	rddreg [dreg:$0xc];
	[sflag:s18] =	ssyncadd.s32 $0xFFFFC000  }
0x3d: {  	[hbm4b:s11+s3] =	stream.linear.scatter [tilespmem:s30], [sflag:$0xA], $0x4000, $0x38;
	[tilespmem:$0x15C00] =	vst v63  }
0x3e: {  	_ =	swait.ge [sflag:s19], $0x4000  }
0x3f: {  	[sflag:s19] =	ssyncset.done $0x0  }
0x40: {  	s9 =	simm.s32 $0x280;
	[sflag:s19] =	ssyncadd.s32 $0xFFFFC000  }
0x41: {  	[tilespmem:s22], [sflag:$0x1] =	stream.indirect.gather [hbm4b:s2+s21], $0x80, s9, s21, $0xb8;
	[tilespmem:$0x15C00] =	vst v63  }
0x42: {  	_ =	swait.ge [sflag:s24], $0x4000  }
0x43: {  	[sflag:s24] =	ssyncset.done $0x0  }
0x44: {  	s10 =	simm.s32 $0x300;
	[sflag:s24] =	ssyncadd.s32 $0xFFFFC000  }
0x45: {  	[tilespmem:s23], [sflag:$0x2] =	stream.indirect.gather [hbm4b:s2+s21], $0x80, s10, s21, $0xb8;
	[tilespmem:$0x15C00] =	vst v63  }
0x46: {  	_ =	swait.ge [sflag:s26], $0x4000  }
0x47: {  	[sflag:s26] =	ssyncset.done $0x0  }
0x48: {  	s12 =	simm.s32 $0x380;
	[sflag:s26] =	ssyncadd.s32 $0xFFFFC000  }
0x49: {  	[tilespmem:s25], [sflag:$0x3] =	stream.indirect.gather [hbm4b:s2+s21], $0x80, s12, s21, $0xb8;
	[tilespmem:$0x15C00] =	vst v63  }
0x4a: {  	_ =	swait.ge [sflag:s29], $0x4000  }
0x4b: {  	[sflag:s29] =	ssyncset.done $0x0  }
0x4c: {  	s4 =	sadd.s32 $0x50000, s15;
	s20 =	simm.s32 $0x400;
	[sflag:s29] =	ssyncadd.s32 $0xFFFFC000  }
0x4d: {  	[tilespmem:s28], [sflag:$0x4] =	stream.indirect.gather [hbm4b:s2+s21], $0x80, s20, s21, $0xb8;
	[tilespmem:$0x15C00] =	vst v63  }
0x4e: {  	s7 =	simm.s32 $0xA00;
	s8 =	sadd.s32 $0x50000, s16;
	_ =	swait.ge [sflag:s5], $0x4000  }
0x4f: {  	s11 =	sadd.s32 $0x50000, s11;
	s9 =	sadd.s32 $0x50000, s13;
	[sflag:s5] =	ssyncset.done $0x0  }
0x50: {  	s10 =	sadd.s32 $0x50000, s14;
	s20 =	simm.s32 $0x480;
	[sflag:s5] =	ssyncadd.s32 $0xFFFFC000  }
.LBB2_2:
0x51: {  	[tilespmem:s30], [sflag:$0x5] =	stream.indirect.gather [hbm4b:s2+s21], $0x80, s20, s21, $0xb8;
	[tilespmem:$0x15C00] =	vst v63  }
0x52: {  	s20 =	smov.u32 s7  }
0x53: {  	p0 =	sne.s32 s7, $0x5000;
	s7 =	sadd.s32 $0xA00, s7;
	_ =	swait.ge [sflag:s31], $0x4000  }
0x54: {  	[sflag:s31] =	ssyncset.done $0x0  }
0x55: {  	[sflag:s31] =	ssyncadd.s32 $0xFFFFC000  }
0x56: {  	[hbm4b:s8+s3] =	stream.linear.scatter [tilespmem:s22], [sflag:$0x6], $0x4000, $0x38;
	[tilespmem:$0x15C00] =	vst v63  }
0x57: {  	_ =	swait.ge [sflag:s0], $0x4000  }
0x58: {  	[sflag:s0] =	ssyncset.done $0x0  }
0x59: {  	[sflag:s0] =	ssyncadd.s32 $0xFFFFC000  }
0x5a: {  	[hbm4b:s4+s3] =	stream.linear.scatter [tilespmem:s23], [sflag:$0x7], $0x4000, $0x38;
	[tilespmem:$0x15C00] =	vst v63  }
0x5b: {  	_ =	swait.ge [sflag:s1], $0x4000  }
0x5c: {  	[sflag:s1] =	ssyncset.done $0x0  }
0x5d: {  	[sflag:s1] =	ssyncadd.s32 $0xFFFFC000  }
0x5e: {  	[hbm4b:s10+s3] =	stream.linear.scatter [tilespmem:s25], [sflag:$0x8], $0x4000, $0x38;
	[tilespmem:$0x15C00] =	vst v63  }
0x5f: {  	_ =	swait.ge [sflag:s17], $0x4000  }
0x60: {  	[sflag:s17] =	ssyncset.done $0x0  }
0x61: {  	[sflag:s17] =	ssyncadd.s32 $0xFFFFC000  }
0x62: {  	[hbm4b:s9+s3] =	stream.linear.scatter [tilespmem:s28], [sflag:$0x9], $0x4000, $0x38;
	[tilespmem:$0x15C00] =	vst v63  }
0x63: {  	_ =	swait.ge [sflag:s18], $0x4000  }
0x64: {  	[sflag:s18] =	ssyncset.done $0x0  }
0x65: {  	[sflag:s18] =	ssyncadd.s32 $0xFFFFC000  }
0x66: {  	[hbm4b:s11+s3] =	stream.linear.scatter [tilespmem:s30], [sflag:$0xA], $0x4000, $0x38;
	[tilespmem:$0x15C00] =	vst v63  }
0x67: {  	_ =	swait.ge [sflag:s19], $0x4000  }
0x68: {  	s20 =	sshra.s32 s20, $0x2;
	[sflag:s19] =	ssyncset.done $0x0  }
0x69: {  	s12 =	sadd.s32 $0x280, s20;
	[sflag:s19] =	ssyncadd.s32 $0xFFFFC000  }
0x6a: {  	[tilespmem:s22], [sflag:$0x1] =	stream.indirect.gather [hbm4b:s2+s21], $0x80, s12, s21, $0xb8;
	[tilespmem:$0x15C00] =	vst v63  }
0x6b: {  	_ =	swait.ge [sflag:s24], $0x4000  }
0x6c: {  	[sflag:s24] =	ssyncset.done $0x0  }
0x6d: {  	s12 =	sadd.s32 $0x300, s20;
	[sflag:s24] =	ssyncadd.s32 $0xFFFFC000  }
0x6e: {  	[tilespmem:s23], [sflag:$0x2] =	stream.indirect.gather [hbm4b:s2+s21], $0x80, s12, s21, $0xb8;
	[tilespmem:$0x15C00] =	vst v63  }
0x6f: {  	_ =	swait.ge [sflag:s26], $0x4000  }
0x70: {  	[sflag:s26] =	ssyncset.done $0x0  }
0x71: {  	s12 =	sadd.s32 $0x380, s20;
	[sflag:s26] =	ssyncadd.s32 $0xFFFFC000  }
0x72: {  	[tilespmem:s25], [sflag:$0x3] =	stream.indirect.gather [hbm4b:s2+s21], $0x80, s12, s21, $0xb8;
	[tilespmem:$0x15C00] =	vst v63  }
0x73: {  	_ =	swait.ge [sflag:s29], $0x4000  }
0x74: {  	[sflag:s29] =	ssyncset.done $0x0  }
.Ltmp0:
0x75: {  	s12 =	sadd.s32 $0x400, s20;
	[sflag:s29] =	ssyncadd.s32 $0xFFFFC000;
	(pc) =	sbr.rel @p0 .LBB2_2-.Ltmp0, $4  }
0x76: {  	[tilespmem:s28], [sflag:$0x4] =	stream.indirect.gather [hbm4b:s2+s21], $0x80, s12, s21, $0xb8;
	[tilespmem:$0x15C00] =	vst v63  }
0x77: {  	s8 =	sadd.s32 $0x50000, s8;
	s4 =	sadd.s32 $0x50000, s4;
	_ =	swait.ge [sflag:s5], $0x4000  }
0x78: {  	s10 =	sadd.s32 $0x50000, s10;
	s9 =	sadd.s32 $0x50000, s9;
	[sflag:s5] =	ssyncset.done $0x0  }
0x79: {  	s11 =	sadd.s32 $0x50000, s11;
	s20 =	sadd.s32 $0x480, s20;
	[sflag:s5] =	ssyncadd.s32 $0xFFFFC000  }
0x7a: {  	[tilespmem:s30], [sflag:$0x5] =	stream.indirect.gather [hbm4b:s2+s21], $0x80, s20, s21, $0xb8;
	[tilespmem:$0x15C00] =	vst v63  }
0x7b: {  	_ =	swait.ge [sflag:s31], $0x4000  }
0x7c: {  	[sflag:s31] =	ssyncset.done $0x0  }
0x7d: {  	s4 =	rddreg [dreg:$0x6];
	[sflag:s31] =	ssyncadd.s32 $0xFFFFC000  }
0x7e: {  	[hbm4b:s4+s3] =	stream.linear.scatter [tilespmem:s22], [sflag:$0x6], $0x4000, $0x38;
	[tilespmem:$0x15C00] =	vst v63  }
0x7f: {  	_ =	swait.ge [sflag:s0], $0x4000  }
0x80: {  	[sflag:s0] =	ssyncset.done $0x0  }
0x81: {  	s9 =	rddreg [dreg:$0x7];
	[sflag:s0] =	ssyncadd.s32 $0xFFFFC000  }
0x82: {  	[hbm4b:s9+s3] =	stream.linear.scatter [tilespmem:s23], [sflag:$0x7], $0x4000, $0x38;
	[tilespmem:$0x15C00] =	vst v63  }
0x83: {  	_ =	swait.ge [sflag:s1], $0x4000  }
0x84: {  	[sflag:s1] =	ssyncset.done $0x0  }
0x85: {  	s10 =	rddreg [dreg:$0x8];
	[sflag:s1] =	ssyncadd.s32 $0xFFFFC000  }
0x86: {  	[hbm4b:s10+s3] =	stream.linear.scatter [tilespmem:s25], [sflag:$0x8], $0x4000, $0x38;
	[tilespmem:$0x15C00] =	vst v63  }
0x87: {  	_ =	swait.ge [sflag:s17], $0x4000  }
0x88: {  	[sflag:s17] =	ssyncset.done $0x0  }
0x89: {  	s11 =	rddreg [dreg:$0x9];
	[sflag:s17] =	ssyncadd.s32 $0xFFFFC000  }
0x8a: {  	[hbm4b:s11+s3] =	stream.linear.scatter [tilespmem:s28], [sflag:$0x9], $0x4000, $0x38;
	[tilespmem:$0x15C00] =	vst v63  }
0x8b: {  	_ =	swait.ge [sflag:s18], $0x4000  }
0x8c: {  	[sflag:s18] =	ssyncset.done $0x0  }
0x8d: {  	s12 =	rddreg [dreg:$0xa];
	[sflag:s18] =	ssyncadd.s32 $0xFFFFC000  }
0x8e: {  	[hbm4b:s12+s3] =	stream.linear.scatter [tilespmem:s30], [sflag:$0xA], $0x4000, $0x38;
	[tilespmem:$0x15C00] =	vst v63  }
0x8f: {  	_ =	swait.ge [sflag:s19], $0x4000  }
0x90: {  	[sflag:s19] =	ssyncset.done $0x0  }
0x91: {  	[sflag:s19] =	ssyncadd.s32 $0xFFFFC000  }
0x92: {  	_ =	swait.ge [sflag:s24], $0x4000  }
0x93: {  	[sflag:s24] =	ssyncset.done $0x0  }
0x94: {  	[sflag:s24] =	ssyncadd.s32 $0xFFFFC000  }
0x95: {  	_ =	swait.ge [sflag:s26], $0x4000  }
0x96: {  	[sflag:s26] =	ssyncset.done $0x0  }
0x97: {  	[sflag:s26] =	ssyncadd.s32 $0xFFFFC000  }
0x98: {  	_ =	swait.ge [sflag:s29], $0x4000  }
0x99: {  	[sflag:s29] =	ssyncset.done $0x0  }
0x9a: {  	[sflag:s29] =	ssyncadd.s32 $0xFFFFC000  }
0x9b: {  	_ =	swait.ge [sflag:s5], $0x4000  }
0x9c: {  	s6 =	sadd.s32 $0x1, s6;
	s20 =	rddreg [dreg:$0xb]  }
0x9d: {  	p0 =	sne.s32 s6, s20  }
.Ltmp1:
0x9e: {  	_ = 	snop;
	(pc) =	sbr.rel @p0 .LBB2_1-.Ltmp1, $3  }
0x9f: {  	_ =	sdelay $0x1  }
0xa0: {  	[sflag:s5] =	ssyncset.done $0x0  }
0xa1: {  	[sflag:s5] =	ssyncadd.s32 $0xFFFFC000  }
0xa2: {  	_ =	sfence.sel $0x180000  }
0xa3: {  	[bflag:$0x0] =	sbarrier.arrive $0xFFFF  }
0xa4: {  	_ =	strace $0x90000047  }
0xa5: {  	s0 =	stileid.u32;
	[bflag:$0x2] =	sbarrier.arrive $0xFFFF  }
0xa6: {  	p0 =	sne.s32 s0, $0x0;
	s0 =	rddreg [dreg:$0x3]  }
0xa7: {  	s0 =	sadd.s32 @!p0 $0x100000, s0  }
0xa8: {  	[sflag:s0] =	ssyncadd.tile.s32 @!p0 $0x1;
	_ =	shalt  }
.Lfunc_end2:
_tile_overlayer_lowered:
.L_overlay_start_2:
0xa9: {  	(tag) =	ssettag $0x2  }
0xaa: {  	s0 =	rddreg [dreg:$0x0];
	s2 =	stileid.u32  }
0xab: {  	s1 =	rddreg [dreg:$0x1];
	p0 =	sne.s32 s2, $0x0  }
0xac: {  	s3 =	rddreg [dreg:$0x2];
	[bflag:$0x3] =	sbarrier.arrive $0xFFFF;
	s2 =	simm.s32 @!p0 $0x1C0B  }
0xad: {  	[timem:s3], [sflag:s2] =	dma.local @!p0 [hbm:s0], s1  }
0xae: {  	s0 =	simm.s32 @!p0 $0xB  }
0xaf: {  	_ =	swait.ge @!p0 [sflag:s0], s1  }
0xb0: {  	s1 =	ssub.s32 @!p0 $0x0, s1;
	[sflag:s0] =	ssyncset.done @!p0 $0x0  }
0xb1: {  	[sflag:s0] =	ssyncadd.s32 @!p0 s1  }
0xb2: {  	[bflag:$0x3] =	sbarrier.arrive $0xFFFF  }
0xb3: {  	_ =	shalt  }

</sc_bundles>
